<compile_context>
chip_gen: v7x
topology: tpu7x:2x2x1
jax: 0.10.2.dev20260603
libtpu: 0.0.44.dev20260713+nightly
codegen_flags: <defaults>
</compile_context>

<pallas_src>
import functools
from itertools import combinations

import numpy as np
import jax
import jax.numpy as jnp
from jax import lax
from jax.experimental import pallas as pl
from jax.experimental.pallas import tpu as pltpu
from jax.experimental.pallas import tpu_sc as plsc

_N_WIRES = 16
_N_SHOTS = 1024.0
_N_STATES = 1 << _N_WIRES
_IDX = [(1 << (_N_WIRES - 1 - a)) + (1 << (_N_WIRES - 1 - b))
        for a, b in combinations(range(_N_WIRES), 2)]
_NB = len(_IDX)


_TC_BR = 32
_SC_ROWS = 192
_TC_ROWS = 512 - _SC_ROWS


def _tc_body(x_ref, o_ref):
    x = x_ref[...]
    s = jnp.sum(x, axis=1)
    scale = _N_SHOTS / s
    cols = [x[:, c] for c in _IDX]
    g = jnp.stack(cols, axis=1)
    o_ref[...] = g * scale[:, None]


def _tc_call(state):
    return pl.pallas_call(
        _tc_body,
        grid=(_TC_ROWS // _TC_BR,),
        in_specs=[pl.BlockSpec((_TC_BR, _N_STATES), lambda i: (i, 0))],
        out_specs=pl.BlockSpec((_TC_BR, _NB), lambda i: (i, 0)),
        out_shape=jax.ShapeDtypeStruct((_TC_ROWS, _NB), jnp.float32),
    )(state)



_CW = _N_STATES // 2
_NW = 32
_RPW = _SC_ROWS // _NW


def _make_slot_tables():
    lower = [(j, s) for j, s in enumerate(_IDX) if s < _CW]
    upper = [(j, s) for j, s in enumerate(_IDX) if s >= _CW]
    src = np.zeros(128, np.int32)
    dst = np.zeros(128, np.int32)
    for slot, (j, s) in enumerate(lower):
        src[slot], dst[slot] = s, j
    for p, slot in enumerate(range(len(lower), 112)):
        src[slot], dst[slot] = 0, 121 + p
    for slot, (j, s) in enumerate(upper, start=112):
        src[slot], dst[slot] = s - _CW, j
    src[127], dst[127] = 0, 127
    return src, dst


_TAB = np.concatenate(_make_slot_tables())
_CHUNK_OF_VEC = [0] * 7 + [1]


_NRING = 3


def _make_sc_call(base_row, n_rows, num_cores, name):
    n_workers = num_cores * 16
    rpw = n_rows // n_workers

    def _sc_body(state_hbm, tab_hbm, out_ref,
                 buf0, buf1, tabv, raw, outv, sem0, sem1):
        if num_cores == 1:
            wid = lax.axis_index("s")
        else:
            wid = lax.axis_index("s") * num_cores + lax.axis_index("c")
        base = base_row + wid * rpw
        pltpu.sync_copy(tab_hbm, tabv)

        def chunk_sum(buf):
            def body(i, a):
                b = [buf[pl.ds(i * 256 + t * 16, 16)] for t in range(16)]
                a = tuple(a[t] + b[t] for t in range(8))
                return tuple(a[t] + b[8 + t] for t in range(8))
            acc = lax.fori_loop(
                0, _CW // 256, body, (jnp.zeros((16,), jnp.float32),) * 8)
            return ((acc[0] + acc[1]) + (acc[2] + acc[3])) + (
                (acc[4] + acc[5]) + (acc[6] + acc[7]))

        pltpu.async_copy(state_hbm.at[base, pl.ds(0, _CW)], buf0, sem0)

        def row_body(r, carry):
            pltpu.make_async_copy(
                state_hbm.at[base + r, pl.ds(0, _CW)], buf0, sem0).wait()
            pltpu.async_copy(
                state_hbm.at[base + r, pl.ds(_CW, _CW)], buf1, sem1)
            a0 = chunk_sum(buf0)
            for k in range(7):
                sv = tabv[pl.ds(k * 16, 16)]
                raw[pl.ds(k * 16, 16)] = plsc.load_gather(buf0, [sv])

            @pl.when(r + 1 < rpw)
            def _():
                pltpu.async_copy(
                    state_hbm.at[base + r + 1, pl.ds(0, _CW)], buf0, sem0)

            pltpu.make_async_copy(
                state_hbm.at[base + r, pl.ds(_CW, _CW)], buf1, sem1).wait()
            a1 = chunk_sum(buf1)
            sv = tabv[pl.ds(112, 16)]
            raw[pl.ds(112, 16)] = plsc.load_gather(buf1, [sv])
            total = jnp.sum(a0 + a1)
            scale = jnp.full((16,), _N_SHOTS, jnp.float32) / (
                jnp.ones((16,), jnp.float32) * total)
            for k in range(8):
                dv = tabv[pl.ds(128 + k * 16, 16)]
                plsc.store_scatter(outv, [dv], raw[pl.ds(k * 16, 16)] * scale)
            pltpu.sync_copy(outv, out_ref.at[base - base_row + r])
            return carry

        lax.fori_loop(0, rpw, row_body, 0)

    return functools.partial(
        pl.kernel,
        out_type=jax.ShapeDtypeStruct((n_rows, 128), jnp.float32),
        mesh=plsc.VectorSubcoreMesh(core_axis_name="c", subcore_axis_name="s",
                                    num_cores=num_cores, num_subcores=16),
        compiler_params=pltpu.CompilerParams(needs_layout_passes=False),
        name=name,
        scratch_types=[
            pltpu.VMEM((_CW,), jnp.float32),
            pltpu.VMEM((_CW,), jnp.float32),
            pltpu.VMEM((256,), jnp.int32),
            pltpu.VMEM((128,), jnp.float32),
            pltpu.VMEM((128,), jnp.float32),
            pltpu.SemaphoreType.DMA,
            pltpu.SemaphoreType.DMA,
        ],
    )(_sc_body)


_sc_call = _make_sc_call(_TC_ROWS, _SC_ROWS, 2, "sc_rows")



def kernel(state):
    tc_out = _tc_call(state)
    sc_out = _sc_call(state, jnp.asarray(_TAB))
    return jnp.concatenate([tc_out, sc_out[:, :_NB]], axis=0)

# --- scband reference (transcript-rebuilt; emitter-appended) ---
"""Pipeline reference for scband-measure-layer-22643067585064 (READ-ONLY COPY).

The authoritative reference and input builder live on the scoring server;
editing this copy changes nothing except your own understanding.
"""

import jax, jax.numpy as jnp
import numpy as np
from itertools import combinations

N_WIRES = 16
N_SHOTS = 1024
N_STATES = 1 << N_WIRES
BATCH = 512


def _build_bin_map(n_wires):
    # bin index for every computational-basis state whose first n_wires bits
    # contain exactly two 1s (matching MeasureLayer._generate_all_measurements order),
    # else a dump bin (n_bins).
    combos = {c: i for i, c in enumerate(combinations(range(n_wires), 2))}
    n_bins = len(combos)
    bin_map = np.full(1 << n_wires, n_bins, dtype=np.int32)
    for s in range(1 << n_wires):
        ones = tuple(i for i in range(n_wires) if (s >> (n_wires - 1 - i)) & 1)
        if len(ones) == 2:
            bin_map[s] = combos[ones]
    return bin_map, n_bins


BIN_MAP, N_BINS = _build_bin_map(N_WIRES)


def setup_inputs(seed: int = 0):
    key = jax.random.key(seed)
    # qdev measurement probabilities (unnormalized |amplitude|^2) per circuit in the batch
    state = jax.random.uniform(key, (BATCH, N_STATES), dtype=jnp.float32)
    return {"state": state}


def reference(state):
    # measure(qdev, n_shots): expected shot counts per basis state
    probs = state / jnp.sum(state, axis=-1, keepdims=True)
    expected_counts = probs * N_SHOTS
    # histogram-bin counts into the comb(n_wires, 2) two-hot bitstring bins
    bin_map = jnp.asarray(BIN_MAP)
    out = jnp.zeros((state.shape[0], N_BINS + 1), dtype=jnp.float32)
    out = out.at[:, bin_map].add(expected_counts)
    return out[:, :N_BINS]

if __name__ == "__main__":
    import jax
    _d = setup_inputs()
    print(jax.jit(kernel)(*tuple(_d.values())))

</pallas_src>

<mosaic_0001>
#map = affine_map<(d0, d1) -> (0, 0)>
#map1 = affine_map<(d0, d1) -> (0)>
module attributes {stable_mosaic.version = 14 : i64} {
  func.func @sc_rows(%arg0: i32, %arg1: i32, %arg2: memref<512x65536xf32, #tpu.memory_space<hbm>>, %arg3: memref<256xi32, #tpu.memory_space<hbm>>, %arg4: memref<192x128xf32, #tpu.memory_space<hbm>>, %arg5: memref<32768xf32, #tpu.memory_space<vmem>>, %arg6: memref<32768xf32, #tpu.memory_space<vmem>>, %arg7: memref<256xi32, #tpu.memory_space<vmem>>, %arg8: memref<128xf32, #tpu.memory_space<vmem>>, %arg9: memref<128xf32, #tpu.memory_space<vmem>>, %arg10: memref<!tpu.dma_semaphore, #tpu.memory_space<semaphore_mem>>, %arg11: memref<!tpu.dma_semaphore, #tpu.memory_space<semaphore_mem>>) attributes {dimension_semantics = [#tpu.dimension_semantics<core_parallel>, #tpu.dimension_semantics<subcore_parallel>], iteration_bounds = array<i64: 2, 16>, scalar_prefetch = 0 : i64, scratch_operands = 7 : i64, tpu.core_type = #tpu.core_type<sc_vector_subcore>, window_params = [{transform_indices = #map}, {transform_indices = #map1}, {transform_indices = #map}]} {
    %mul3A = arith.constant 2 : i32
    %mul3A_0 = arith.muli %arg1, %mul3A : i32
    %add3A = arith.addi %mul3A_0, %arg0 : i32
    %mul3A_1 = arith.constant 6 : i32
    %mul3A_2 = arith.muli %add3A, %mul3A_1 : i32
    %add3A_3 = arith.constant 320 : i32
    %add3A_4 = arith.addi %add3A_3, %mul3A_2 : i32
    "tpu.region"() ({
      %run_scoped3A = tpu.sem_alloc : memref<!tpu.dma_semaphore, #tpu.memory_space<semaphore_mem>>
      tpu.enqueue_dma source(%arg3 : memref<256xi32, #tpu.memory_space<hbm>>) target(%arg7 : memref<256xi32, #tpu.memory_space<vmem>>) target_semaphore(%run_scoped3A : memref<!tpu.dma_semaphore, #tpu.memory_space<semaphore_mem>>)
      tpu.wait_dma2 semaphore(%run_scoped3A : memref<!tpu.dma_semaphore, #tpu.memory_space<semaphore_mem>>) src(%arg3 : memref<256xi32, #tpu.memory_space<hbm>>) dst(%arg7 : memref<256xi32, #tpu.memory_space<vmem>>)
      tpu.yield
    }) : () -> ()
    %dma_start3A = arith.constant 0 : i32
    %dma_start3A_5 = tpu.memref_slice %arg2[%add3A_4, %dma_start3A] : memref<512x65536xf32, #tpu.memory_space<hbm>> -> memref<1x32768xf32, #tpu.memory_space<hbm>>
    %dma_start3A_6 = tpu.memref_squeeze %dma_start3A_5 : memref<1x32768xf32, #tpu.memory_space<hbm>> -> memref<32768xf32, #tpu.memory_space<hbm>>
    %dma_start3A_7 = arith.constant 0 : i32
    %dma_start3A_8 = tpu.memref_slice %arg2[%add3A_4, %dma_start3A_7] : memref<512x65536xf32, #tpu.memory_space<hbm>> -> memref<1x32768xf32, #tpu.memory_space<hbm>>
    %dma_start3A_9 = tpu.memref_squeeze %dma_start3A_8 : memref<1x32768xf32, #tpu.memory_space<hbm>> -> memref<32768xf32, #tpu.memory_space<hbm>>
    tpu.enqueue_dma source(%dma_start3A_9 : memref<32768xf32, #tpu.memory_space<hbm>>) target(%arg5 : memref<32768xf32, #tpu.memory_space<vmem>>) target_semaphore(%arg10 : memref<!tpu.dma_semaphore, #tpu.memory_space<semaphore_mem>>)
    %scan3A = arith.constant 0 : i32
    %scan3A_10 = arith.constant 0 : i32
    %scan3A_11 = arith.constant 6 : i32
    %scan3A_12 = arith.addi %scan3A_10, %scan3A_11 : i32
    %scan3A_13 = arith.constant 1 : i32
    scf.for %scan3A_15 = %scan3A_10 to %scan3A_12 step %scan3A_13  : i32 {
      %add3A_16 = arith.addi %add3A_4, %scan3A_15 : i32
      %dma_wait3A = arith.constant 0 : i32
      %dma_wait3A_17 = tpu.memref_slice %arg2[%add3A_16, %dma_wait3A] : memref<512x65536xf32, #tpu.memory_space<hbm>> -> memref<1x32768xf32, #tpu.memory_space<hbm>>
      %dma_wait3A_18 = tpu.memref_squeeze %dma_wait3A_17 : memref<1x32768xf32, #tpu.memory_space<hbm>> -> memref<32768xf32, #tpu.memory_space<hbm>>
      %dma_wait3A_19 = arith.constant 0 : i32
      %dma_wait3A_20 = tpu.memref_slice %arg2[%add3A_16, %dma_wait3A_19] : memref<512x65536xf32, #tpu.memory_space<hbm>> -> memref<1x32768xf32, #tpu.memory_space<hbm>>
      %dma_wait3A_21 = tpu.memref_squeeze %dma_wait3A_20 : memref<1x32768xf32, #tpu.memory_space<hbm>> -> memref<32768xf32, #tpu.memory_space<hbm>>
      tpu.wait_dma2 semaphore(%arg10 : memref<!tpu.dma_semaphore, #tpu.memory_space<semaphore_mem>>) src(%dma_wait3A_21 : memref<32768xf32, #tpu.memory_space<hbm>>) dst(%arg5 : memref<32768xf32, #tpu.memory_space<vmem>>)
      %add3A_22 = arith.addi %add3A_4, %scan3A_15 : i32
      %dma_start3A_23 = arith.constant 32768 : i32
      %dma_start3A_24 = tpu.memref_slice %arg2[%add3A_22, %dma_start3A_23] : memref<512x65536xf32, #tpu.memory_space<hbm>> -> memref<1x32768xf32, #tpu.memory_space<hbm>>
      %dma_start3A_25 = tpu.memref_squeeze %dma_start3A_24 : memref<1x32768xf32, #tpu.memory_space<hbm>> -> memref<32768xf32, #tpu.memory_space<hbm>>
      %dma_start3A_26 = arith.constant 32768 : i32
      %dma_start3A_27 = tpu.memref_slice %arg2[%add3A_22, %dma_start3A_26] : memref<512x65536xf32, #tpu.memory_space<hbm>> -> memref<1x32768xf32, #tpu.memory_space<hbm>>
      %dma_start3A_28 = tpu.memref_squeeze %dma_start3A_27 : memref<1x32768xf32, #tpu.memory_space<hbm>> -> memref<32768xf32, #tpu.memory_space<hbm>>
      tpu.enqueue_dma source(%dma_start3A_28 : memref<32768xf32, #tpu.memory_space<hbm>>) target(%arg6 : memref<32768xf32, #tpu.memory_space<vmem>>) target_semaphore(%arg11 : memref<!tpu.dma_semaphore, #tpu.memory_space<semaphore_mem>>)
      %broadcast_in_dim3A = arith.constant 0.000000e+00 : f32
      %broadcast_in_dim3A_29 = vector.broadcast %broadcast_in_dim3A : f32 to vector<16xf32>
      %scan3A_30 = arith.constant 0 : i32
      %scan3A_31 = arith.constant 128 : i32
      %scan3A_32 = arith.addi %scan3A_30, %scan3A_31 : i32
      %scan3A_33 = arith.constant 1 : i32
      %scan3A_34:8 = scf.for %scan3A_158 = %scan3A_30 to %scan3A_32 step %scan3A_33 iter_args(%scan3A_159 = %broadcast_in_dim3A_29, %scan3A_160 = %broadcast_in_dim3A_29, %scan3A_161 = %broadcast_in_dim3A_29, %scan3A_162 = %broadcast_in_dim3A_29, %scan3A_163 = %broadcast_in_dim3A_29, %scan3A_164 = %broadcast_in_dim3A_29, %scan3A_165 = %broadcast_in_dim3A_29, %scan3A_166 = %broadcast_in_dim3A_29) -> (vector<16xf32>, vector<16xf32>, vector<16xf32>, vector<16xf32>, vector<16xf32>, vector<16xf32>, vector<16xf32>, vector<16xf32>)  : i32 {
        %mul3A_167 = arith.constant 256 : i32
        %mul3A_168 = arith.muli %scan3A_158, %mul3A_167 : i32
        %add3A_169 = arith.constant 0 : i32
        %add3A_170 = arith.addi %mul3A_168, %add3A_169 : i32
        %get3A_171 = arith.index_cast %add3A_170 : i32 to index
        %get3A_172 = tpu.vector_load %arg5[%get3A_171] {strides = array<i32>} : memref<32768xf32, #tpu.memory_space<vmem>>, vector<16xf32>,
        %mul3A_173 = arith.constant 256 : i32
        %mul3A_174 = arith.muli %scan3A_158, %mul3A_173 : i32
        %add3A_175 = arith.constant 16 : i32
        %add3A_176 = arith.addi %mul3A_174, %add3A_175 : i32
        %get3A_177 = arith.index_cast %add3A_176 : i32 to index
        %get3A_178 = tpu.vector_load %arg5[%get3A_177] {strides = array<i32>} : memref<32768xf32, #tpu.memory_space<vmem>>, vector<16xf32>,
        %mul3A_179 = arith.constant 256 : i32
        %mul3A_180 = arith.muli %scan3A_158, %mul3A_179 : i32
        %add3A_181 = arith.constant 32 : i32
        %add3A_182 = arith.addi %mul3A_180, %add3A_181 : i32
        %get3A_183 = arith.index_cast %add3A_182 : i32 to index
        %get3A_184 = tpu.vector_load %arg5[%get3A_183] {strides = array<i32>} : memref<32768xf32, #tpu.memory_space<vmem>>, vector<16xf32>,
        %mul3A_185 = arith.constant 256 : i32
        %mul3A_186 = arith.muli %scan3A_158, %mul3A_185 : i32
        %add3A_187 = arith.constant 48 : i32
        %add3A_188 = arith.addi %mul3A_186, %add3A_187 : i32
        %get3A_189 = arith.index_cast %add3A_188 : i32 to index
        %get3A_190 = tpu.vector_load %arg5[%get3A_189] {strides = array<i32>} : memref<32768xf32, #tpu.memory_space<vmem>>, vector<16xf32>,
        %mul3A_191 = arith.constant 256 : i32
        %mul3A_192 = arith.muli %scan3A_158, %mul3A_191 : i32
        %add3A_193 = arith.constant 64 : i32
        %add3A_194 = arith.addi %mul3A_192, %add3A_193 : i32
        %get3A_195 = arith.index_cast %add3A_194 : i32 to index
        %get3A_196 = tpu.vector_load %arg5[%get3A_195] {strides = array<i32>} : memref<32768xf32, #tpu.memory_space<vmem>>, vector<16xf32>,
        %mul3A_197 = arith.constant 256 : i32
        %mul3A_198 = arith.muli %scan3A_158, %mul3A_197 : i32
        %add3A_199 = arith.constant 80 : i32
        %add3A_200 = arith.addi %mul3A_198, %add3A_199 : i32
        %get3A_201 = arith.index_cast %add3A_200 : i32 to index
        %get3A_202 = tpu.vector_load %arg5[%get3A_201] {strides = array<i32>} : memref<32768xf32, #tpu.memory_space<vmem>>, vector<16xf32>,
        %mul3A_203 = arith.constant 256 : i32
        %mul3A_204 = arith.muli %scan3A_158, %mul3A_203 : i32
        %add3A_205 = arith.constant 96 : i32
        %add3A_206 = arith.addi %mul3A_204, %add3A_205 : i32
        %get3A_207 = arith.index_cast %add3A_206 : i32 to index
        %get3A_208 = tpu.vector_load %arg5[%get3A_207] {strides = array<i32>} : memref<32768xf32, #tpu.memory_space<vmem>>, vector<16xf32>,
        %mul3A_209 = arith.constant 256 : i32
        %mul3A_210 = arith.muli %scan3A_158, %mul3A_209 : i32
        %add3A_211 = arith.constant 112 : i32
        %add3A_212 = arith.addi %mul3A_210, %add3A_211 : i32
        %get3A_213 = arith.index_cast %add3A_212 : i32 to index
        %get3A_214 = tpu.vector_load %arg5[%get3A_213] {strides = array<i32>} : memref<32768xf32, #tpu.memory_space<vmem>>, vector<16xf32>,
        %mul3A_215 = arith.constant 256 : i32
        %mul3A_216 = arith.muli %scan3A_158, %mul3A_215 : i32
        %add3A_217 = arith.constant 128 : i32
        %add3A_218 = arith.addi %mul3A_216, %add3A_217 : i32
        %get3A_219 = arith.index_cast %add3A_218 : i32 to index
        %get3A_220 = tpu.vector_load %arg5[%get3A_219] {strides = array<i32>} : memref<32768xf32, #tpu.memory_space<vmem>>, vector<16xf32>,
        %mul3A_221 = arith.constant 256 : i32
        %mul3A_222 = arith.muli %scan3A_158, %mul3A_221 : i32
        %add3A_223 = arith.constant 144 : i32
        %add3A_224 = arith.addi %mul3A_222, %add3A_223 : i32
        %get3A_225 = arith.index_cast %add3A_224 : i32 to index
        %get3A_226 = tpu.vector_load %arg5[%get3A_225] {strides = array<i32>} : memref<32768xf32, #tpu.memory_space<vmem>>, vector<16xf32>,
        %mul3A_227 = arith.constant 256 : i32
        %mul3A_228 = arith.muli %scan3A_158, %mul3A_227 : i32
        %add3A_229 = arith.constant 160 : i32
        %add3A_230 = arith.addi %mul3A_228, %add3A_229 : i32
        %get3A_231 = arith.index_cast %add3A_230 : i32 to index
        %get3A_232 = tpu.vector_load %arg5[%get3A_231] {strides = array<i32>} : memref<32768xf32, #tpu.memory_space<vmem>>, vector<16xf32>,
        %mul3A_233 = arith.constant 256 : i32
        %mul3A_234 = arith.muli %scan3A_158, %mul3A_233 : i32
        %add3A_235 = arith.constant 176 : i32
        %add3A_236 = arith.addi %mul3A_234, %add3A_235 : i32
        %get3A_237 = arith.index_cast %add3A_236 : i32 to index
        %get3A_238 = tpu.vector_load %arg5[%get3A_237] {strides = array<i32>} : memref<32768xf32, #tpu.memory_space<vmem>>, vector<16xf32>,
        %mul3A_239 = arith.constant 256 : i32
        %mul3A_240 = arith.muli %scan3A_158, %mul3A_239 : i32
        %add3A_241 = arith.constant 192 : i32
        %add3A_242 = arith.addi %mul3A_240, %add3A_241 : i32
        %get3A_243 = arith.index_cast %add3A_242 : i32 to index
        %get3A_244 = tpu.vector_load %arg5[%get3A_243] {strides = array<i32>} : memref<32768xf32, #tpu.memory_space<vmem>>, vector<16xf32>,
        %mul3A_245 = arith.constant 256 : i32
        %mul3A_246 = arith.muli %scan3A_158, %mul3A_245 : i32
        %add3A_247 = arith.constant 208 : i32
        %add3A_248 = arith.addi %mul3A_246, %add3A_247 : i32
        %get3A_249 = arith.index_cast %add3A_248 : i32 to index
        %get3A_250 = tpu.vector_load %arg5[%get3A_249] {strides = array<i32>} : memref<32768xf32, #tpu.memory_space<vmem>>, vector<16xf32>,
        %mul3A_251 = arith.constant 256 : i32
        %mul3A_252 = arith.muli %scan3A_158, %mul3A_251 : i32
        %add3A_253 = arith.constant 224 : i32
        %add3A_254 = arith.addi %mul3A_252, %add3A_253 : i32
        %get3A_255 = arith.index_cast %add3A_254 : i32 to index
        %get3A_256 = tpu.vector_load %arg5[%get3A_255] {strides = array<i32>} : memref<32768xf32, #tpu.memory_space<vmem>>, vector<16xf32>,
        %mul3A_257 = arith.constant 256 : i32
        %mul3A_258 = arith.muli %scan3A_158, %mul3A_257 : i32
        %add3A_259 = arith.constant 240 : i32
        %add3A_260 = arith.addi %mul3A_258, %add3A_259 : i32
        %get3A_261 = arith.index_cast %add3A_260 : i32 to index
        %get3A_262 = tpu.vector_load %arg5[%get3A_261] {strides = array<i32>} : memref<32768xf32, #tpu.memory_space<vmem>>, vector<16xf32>,
        %add3A_263 = arith.addf %scan3A_159, %get3A_172 : vector<16xf32>
        %add3A_264 = arith.addf %scan3A_160, %get3A_178 : vector<16xf32>
        %add3A_265 = arith.addf %scan3A_161, %get3A_184 : vector<16xf32>
        %add3A_266 = arith.addf %scan3A_162, %get3A_190 : vector<16xf32>
        %add3A_267 = arith.addf %scan3A_163, %get3A_196 : vector<16xf32>
        %add3A_268 = arith.addf %scan3A_164, %get3A_202 : vector<16xf32>
        %add3A_269 = arith.addf %scan3A_165, %get3A_208 : vector<16xf32>
        %add3A_270 = arith.addf %scan3A_166, %get3A_214 : vector<16xf32>
        %add3A_271 = arith.addf %add3A_263, %get3A_220 : vector<16xf32>
        %add3A_272 = arith.addf %add3A_264, %get3A_226 : vector<16xf32>
        %add3A_273 = arith.addf %add3A_265, %get3A_232 : vector<16xf32>
        %add3A_274 = arith.addf %add3A_266, %get3A_238 : vector<16xf32>
        %add3A_275 = arith.addf %add3A_267, %get3A_244 : vector<16xf32>
        %add3A_276 = arith.addf %add3A_268, %get3A_250 : vector<16xf32>
        %add3A_277 = arith.addf %add3A_269, %get3A_256 : vector<16xf32>
        %add3A_278 = arith.addf %add3A_270, %get3A_262 : vector<16xf32>
        scf.yield %add3A_271, %add3A_272, %add3A_273, %add3A_274, %add3A_275, %add3A_276, %add3A_277, %add3A_278 : vector<16xf32>, vector<16xf32>, vector<16xf32>, vector<16xf32>, vector<16xf32>, vector<16xf32>, vector<16xf32>, vector<16xf32>
      }
      %scan3A_35 = arith.constant 128 : i32
      %add3A_36 = arith.addf %scan3A_34#0, %scan3A_34#1 : vector<16xf32>
      %add3A_37 = arith.addf %scan3A_34#2, %scan3A_34#3 : vector<16xf32>
      %add3A_38 = arith.addf %add3A_36, %add3A_37 : vector<16xf32>
      %add3A_39 = arith.addf %scan3A_34#4, %scan3A_34#5 : vector<16xf32>
      %add3A_40 = arith.addf %scan3A_34#6, %scan3A_34#7 : vector<16xf32>
      %add3A_41 = arith.addf %add3A_39, %add3A_40 : vector<16xf32>
      %add3A_42 = arith.addf %add3A_38, %add3A_41 : vector<16xf32>
      %get3A = arith.constant 0 : index
      %get3A_43 = tpu.vector_load %arg7[%get3A] {strides = array<i32>} : memref<256xi32, #tpu.memory_space<vmem>>, vector<16xi32>,
      %gather3A = tpu.vector_load_idx %arg5[%get3A_43] : memref<32768xf32, #tpu.memory_space<vmem>>[vector<16xi32>], vector<16xf32>,
      %swap3A = arith.constant 0 : index
      %swap3A_44 = tpu.vector_load %arg8[%swap3A] {strides = array<i32>} : memref<128xf32, #tpu.memory_space<vmem>>, vector<16xf32>,
      tpu.vector_store %arg8[%swap3A], %gather3A {strides = array<i32>} : memref<128xf32, #tpu.memory_space<vmem>>, vector<16xf32>,
      %get3A_45 = arith.constant 16 : index
      %get3A_46 = tpu.vector_load %arg7[%get3A_45] {strides = array<i32>} : memref<256xi32, #tpu.memory_space<vmem>>, vector<16xi32>,
      %gather3A_47 = tpu.vector_load_idx %arg5[%get3A_46] : memref<32768xf32, #tpu.memory_space<vmem>>[vector<16xi32>], vector<16xf32>,
      %swap3A_48 = arith.constant 16 : index
      %swap3A_49 = tpu.vector_load %arg8[%swap3A_48] {strides = array<i32>} : memref<128xf32, #tpu.memory_space<vmem>>, vector<16xf32>,
      tpu.vector_store %arg8[%swap3A_48], %gather3A_47 {strides = array<i32>} : memref<128xf32, #tpu.memory_space<vmem>>, vector<16xf32>,
      %get3A_50 = arith.constant 32 : index
      %get3A_51 = tpu.vector_load %arg7[%get3A_50] {strides = array<i32>} : memref<256xi32, #tpu.memory_space<vmem>>, vector<16xi32>,
      %gather3A_52 = tpu.vector_load_idx %arg5[%get3A_51] : memref<32768xf32, #tpu.memory_space<vmem>>[vector<16xi32>], vector<16xf32>,
      %swap3A_53 = arith.constant 32 : index
      %swap3A_54 = tpu.vector_load %arg8[%swap3A_53] {strides = array<i32>} : memref<128xf32, #tpu.memory_space<vmem>>, vector<16xf32>,
      tpu.vector_store %arg8[%swap3A_53], %gather3A_52 {strides = array<i32>} : memref<128xf32, #tpu.memory_space<vmem>>, vector<16xf32>,
      %get3A_55 = arith.constant 48 : index
      %get3A_56 = tpu.vector_load %arg7[%get3A_55] {strides = array<i32>} : memref<256xi32, #tpu.memory_space<vmem>>, vector<16xi32>,
      %gather3A_57 = tpu.vector_load_idx %arg5[%get3A_56] : memref<32768xf32, #tpu.memory_space<vmem>>[vector<16xi32>], vector<16xf32>,
      %swap3A_58 = arith.constant 48 : index
      %swap3A_59 = tpu.vector_load %arg8[%swap3A_58] {strides = array<i32>} : memref<128xf32, #tpu.memory_space<vmem>>, vector<16xf32>,
      tpu.vector_store %arg8[%swap3A_58], %gather3A_57 {strides = array<i32>} : memref<128xf32, #tpu.memory_space<vmem>>, vector<16xf32>,
      %get3A_60 = arith.constant 64 : index
      %get3A_61 = tpu.vector_load %arg7[%get3A_60] {strides = array<i32>} : memref<256xi32, #tpu.memory_space<vmem>>, vector<16xi32>,
      %gather3A_62 = tpu.vector_load_idx %arg5[%get3A_61] : memref<32768xf32, #tpu.memory_space<vmem>>[vector<16xi32>], vector<16xf32>,
      %swap3A_63 = arith.constant 64 : index
      %swap3A_64 = tpu.vector_load %arg8[%swap3A_63] {strides = array<i32>} : memref<128xf32, #tpu.memory_space<vmem>>, vector<16xf32>,
      tpu.vector_store %arg8[%swap3A_63], %gather3A_62 {strides = array<i32>} : memref<128xf32, #tpu.memory_space<vmem>>, vector<16xf32>,
      %get3A_65 = arith.constant 80 : index
      %get3A_66 = tpu.vector_load %arg7[%get3A_65] {strides = array<i32>} : memref<256xi32, #tpu.memory_space<vmem>>, vector<16xi32>,
      %gather3A_67 = tpu.vector_load_idx %arg5[%get3A_66] : memref<32768xf32, #tpu.memory_space<vmem>>[vector<16xi32>], vector<16xf32>,
      %swap3A_68 = arith.constant 80 : index
      %swap3A_69 = tpu.vector_load %arg8[%swap3A_68] {strides = array<i32>} : memref<128xf32, #tpu.memory_space<vmem>>, vector<16xf32>,
      tpu.vector_store %arg8[%swap3A_68], %gather3A_67 {strides = array<i32>} : memref<128xf32, #tpu.memory_space<vmem>>, vector<16xf32>,
      %get3A_70 = arith.constant 96 : index
      %get3A_71 = tpu.vector_load %arg7[%get3A_70] {strides = array<i32>} : memref<256xi32, #tpu.memory_space<vmem>>, vector<16xi32>,
      %gather3A_72 = tpu.vector_load_idx %arg5[%get3A_71] : memref<32768xf32, #tpu.memory_space<vmem>>[vector<16xi32>], vector<16xf32>,
      %swap3A_73 = arith.constant 96 : index
      %swap3A_74 = tpu.vector_load %arg8[%swap3A_73] {strides = array<i32>} : memref<128xf32, #tpu.memory_space<vmem>>, vector<16xf32>,
      tpu.vector_store %arg8[%swap3A_73], %gather3A_72 {strides = array<i32>} : memref<128xf32, #tpu.memory_space<vmem>>, vector<16xf32>,
      %add3A_75 = arith.constant 1 : i32
      %add3A_76 = arith.addi %scan3A_15, %add3A_75 : i32
      %lt3A = arith.constant 6 : i32
      %lt3A_77 = arith.cmpi slt, %add3A_76, %lt3A : i32
      %convert_element_type3A = arith.extui %lt3A_77 : i1 to i32
      %cond3A = arith.constant 0 : i32
      %cond3A_78 = arith.cmpi ne, %convert_element_type3A, %cond3A : i32
      scf.if %cond3A_78 {
        %add3A_158 = arith.addi %add3A_4, %scan3A_15 : i32
        %add3A_159 = arith.constant 1 : i32
        %add3A_160 = arith.addi %add3A_158, %add3A_159 : i32
        %dma_start3A_161 = arith.constant 0 : i32
        %dma_start3A_162 = tpu.memref_slice %arg2[%add3A_160, %dma_start3A_161] : memref<512x65536xf32, #tpu.memory_space<hbm>> -> memref<1x32768xf32, #tpu.memory_space<hbm>>
        %dma_start3A_163 = tpu.memref_squeeze %dma_start3A_162 : memref<1x32768xf32, #tpu.memory_space<hbm>> -> memref<32768xf32, #tpu.memory_space<hbm>>
        %dma_start3A_164 = arith.constant 0 : i32
        %dma_start3A_165 = tpu.memref_slice %arg2[%add3A_160, %dma_start3A_164] : memref<512x65536xf32, #tpu.memory_space<hbm>> -> memref<1x32768xf32, #tpu.memory_space<hbm>>
        %dma_start3A_166 = tpu.memref_squeeze %dma_start3A_165 : memref<1x32768xf32, #tpu.memory_space<hbm>> -> memref<32768xf32, #tpu.memory_space<hbm>>
        tpu.enqueue_dma source(%dma_start3A_166 : memref<32768xf32, #tpu.memory_space<hbm>>) target(%arg5 : memref<32768xf32, #tpu.memory_space<vmem>>) target_semaphore(%arg10 : memref<!tpu.dma_semaphore, #tpu.memory_space<semaphore_mem>>)
      } else {
      }
      %add3A_79 = arith.addi %add3A_4, %scan3A_15 : i32
      %dma_wait3A_80 = arith.constant 32768 : i32
      %dma_wait3A_81 = tpu.memref_slice %arg2[%add3A_79, %dma_wait3A_80] : memref<512x65536xf32, #tpu.memory_space<hbm>> -> memref<1x32768xf32, #tpu.memory_space<hbm>>
      %dma_wait3A_82 = tpu.memref_squeeze %dma_wait3A_81 : memref<1x32768xf32, #tpu.memory_space<hbm>> -> memref<32768xf32, #tpu.memory_space<hbm>>
      %dma_wait3A_83 = arith.constant 32768 : i32
      %dma_wait3A_84 = tpu.memref_slice %arg2[%add3A_79, %dma_wait3A_83] : memref<512x65536xf32, #tpu.memory_space<hbm>> -> memref<1x32768xf32, #tpu.memory_space<hbm>>
      %dma_wait3A_85 = tpu.memref_squeeze %dma_wait3A_84 : memref<1x32768xf32, #tpu.memory_space<hbm>> -> memref<32768xf32, #tpu.memory_space<hbm>>
      tpu.wait_dma2 semaphore(%arg11 : memref<!tpu.dma_semaphore, #tpu.memory_space<semaphore_mem>>) src(%dma_wait3A_85 : memref<32768xf32, #tpu.memory_space<hbm>>) dst(%arg6 : memref<32768xf32, #tpu.memory_space<vmem>>)
      %broadcast_in_dim3A_86 = arith.constant 0.000000e+00 : f32
      %broadcast_in_dim3A_87 = vector.broadcast %broadcast_in_dim3A_86 : f32 to vector<16xf32>
      %scan3A_88 = arith.constant 0 : i32
      %scan3A_89 = arith.constant 128 : i32
      %scan3A_90 = arith.addi %scan3A_88, %scan3A_89 : i32
      %scan3A_91 = arith.constant 1 : i32
      %scan3A_92:8 = scf.for %scan3A_158 = %scan3A_88 to %scan3A_90 step %scan3A_91 iter_args(%scan3A_159 = %broadcast_in_dim3A_87, %scan3A_160 = %broadcast_in_dim3A_87, %scan3A_161 = %broadcast_in_dim3A_87, %scan3A_162 = %broadcast_in_dim3A_87, %scan3A_163 = %broadcast_in_dim3A_87, %scan3A_164 = %broadcast_in_dim3A_87, %scan3A_165 = %broadcast_in_dim3A_87, %scan3A_166 = %broadcast_in_dim3A_87) -> (vector<16xf32>, vector<16xf32>, vector<16xf32>, vector<16xf32>, vector<16xf32>, vector<16xf32>, vector<16xf32>, vector<16xf32>)  : i32 {
        %mul3A_167 = arith.constant 256 : i32
        %mul3A_168 = arith.muli %scan3A_158, %mul3A_167 : i32
        %add3A_169 = arith.constant 0 : i32
        %add3A_170 = arith.addi %mul3A_168, %add3A_169 : i32
        %get3A_171 = arith.index_cast %add3A_170 : i32 to index
        %get3A_172 = tpu.vector_load %arg6[%get3A_171] {strides = array<i32>} : memref<32768xf32, #tpu.memory_space<vmem>>, vector<16xf32>,
        %mul3A_173 = arith.constant 256 : i32
        %mul3A_174 = arith.muli %scan3A_158, %mul3A_173 : i32
        %add3A_175 = arith.constant 16 : i32
        %add3A_176 = arith.addi %mul3A_174, %add3A_175 : i32
        %get3A_177 = arith.index_cast %add3A_176 : i32 to index
        %get3A_178 = tpu.vector_load %arg6[%get3A_177] {strides = array<i32>} : memref<32768xf32, #tpu.memory_space<vmem>>, vector<16xf32>,
        %mul3A_179 = arith.constant 256 : i32
        %mul3A_180 = arith.muli %scan3A_158, %mul3A_179 : i32
        %add3A_181 = arith.constant 32 : i32
        %add3A_182 = arith.addi %mul3A_180, %add3A_181 : i32
        %get3A_183 = arith.index_cast %add3A_182 : i32 to index
        %get3A_184 = tpu.vector_load %arg6[%get3A_183] {strides = array<i32>} : memref<32768xf32, #tpu.memory_space<vmem>>, vector<16xf32>,
        %mul3A_185 = arith.constant 256 : i32
        %mul3A_186 = arith.muli %scan3A_158, %mul3A_185 : i32
        %add3A_187 = arith.constant 48 : i32
        %add3A_188 = arith.addi %mul3A_186, %add3A_187 : i32
        %get3A_189 = arith.index_cast %add3A_188 : i32 to index
        %get3A_190 = tpu.vector_load %arg6[%get3A_189] {strides = array<i32>} : memref<32768xf32, #tpu.memory_space<vmem>>, vector<16xf32>,
        %mul3A_191 = arith.constant 256 : i32
        %mul3A_192 = arith.muli %scan3A_158, %mul3A_191 : i32
        %add3A_193 = arith.constant 64 : i32
        %add3A_194 = arith.addi %mul3A_192, %add3A_193 : i32
        %get3A_195 = arith.index_cast %add3A_194 : i32 to index
        %get3A_196 = tpu.vector_load %arg6[%get3A_195] {strides = array<i32>} : memref<32768xf32, #tpu.memory_space<vmem>>, vector<16xf32>,
        %mul3A_197 = arith.constant 256 : i32
        %mul3A_198 = arith.muli %scan3A_158, %mul3A_197 : i32
        %add3A_199 = arith.constant 80 : i32
        %add3A_200 = arith.addi %mul3A_198, %add3A_199 : i32
        %get3A_201 = arith.index_cast %add3A_200 : i32 to index
        %get3A_202 = tpu.vector_load %arg6[%get3A_201] {strides = array<i32>} : memref<32768xf32, #tpu.memory_space<vmem>>, vector<16xf32>,
        %mul3A_203 = arith.constant 256 : i32
        %mul3A_204 = arith.muli %scan3A_158, %mul3A_203 : i32
        %add3A_205 = arith.constant 96 : i32
        %add3A_206 = arith.addi %mul3A_204, %add3A_205 : i32
        %get3A_207 = arith.index_cast %add3A_206 : i32 to index
        %get3A_208 = tpu.vector_load %arg6[%get3A_207] {strides = array<i32>} : memref<32768xf32, #tpu.memory_space<vmem>>, vector<16xf32>,
        %mul3A_209 = arith.constant 256 : i32
        %mul3A_210 = arith.muli %scan3A_158, %mul3A_209 : i32
        %add3A_211 = arith.constant 112 : i32
        %add3A_212 = arith.addi %mul3A_210, %add3A_211 : i32
        %get3A_213 = arith.index_cast %add3A_212 : i32 to index
        %get3A_214 = tpu.vector_load %arg6[%get3A_213] {strides = array<i32>} : memref<32768xf32, #tpu.memory_space<vmem>>, vector<16xf32>,
        %mul3A_215 = arith.constant 256 : i32
        %mul3A_216 = arith.muli %scan3A_158, %mul3A_215 : i32
        %add3A_217 = arith.constant 128 : i32
        %add3A_218 = arith.addi %mul3A_216, %add3A_217 : i32
        %get3A_219 = arith.index_cast %add3A_218 : i32 to index
        %get3A_220 = tpu.vector_load %arg6[%get3A_219] {strides = array<i32>} : memref<32768xf32, #tpu.memory_space<vmem>>, vector<16xf32>,
        %mul3A_221 = arith.constant 256 : i32
        %mul3A_222 = arith.muli %scan3A_158, %mul3A_221 : i32
        %add3A_223 = arith.constant 144 : i32
        %add3A_224 = arith.addi %mul3A_222, %add3A_223 : i32
        %get3A_225 = arith.index_cast %add3A_224 : i32 to index
        %get3A_226 = tpu.vector_load %arg6[%get3A_225] {strides = array<i32>} : memref<32768xf32, #tpu.memory_space<vmem>>, vector<16xf32>,
        %mul3A_227 = arith.constant 256 : i32
        %mul3A_228 = arith.muli %scan3A_158, %mul3A_227 : i32
        %add3A_229 = arith.constant 160 : i32
        %add3A_230 = arith.addi %mul3A_228, %add3A_229 : i32
        %get3A_231 = arith.index_cast %add3A_230 : i32 to index
        %get3A_232 = tpu.vector_load %arg6[%get3A_231] {strides = array<i32>} : memref<32768xf32, #tpu.memory_space<vmem>>, vector<16xf32>,
        %mul3A_233 = arith.constant 256 : i32
        %mul3A_234 = arith.muli %scan3A_158, %mul3A_233 : i32
        %add3A_235 = arith.constant 176 : i32
        %add3A_236 = arith.addi %mul3A_234, %add3A_235 : i32
        %get3A_237 = arith.index_cast %add3A_236 : i32 to index
        %get3A_238 = tpu.vector_load %arg6[%get3A_237] {strides = array<i32>} : memref<32768xf32, #tpu.memory_space<vmem>>, vector<16xf32>,
        %mul3A_239 = arith.constant 256 : i32
        %mul3A_240 = arith.muli %scan3A_158, %mul3A_239 : i32
        %add3A_241 = arith.constant 192 : i32
        %add3A_242 = arith.addi %mul3A_240, %add3A_241 : i32
        %get3A_243 = arith.index_cast %add3A_242 : i32 to index
        %get3A_244 = tpu.vector_load %arg6[%get3A_243] {strides = array<i32>} : memref<32768xf32, #tpu.memory_space<vmem>>, vector<16xf32>,
        %mul3A_245 = arith.constant 256 : i32
        %mul3A_246 = arith.muli %scan3A_158, %mul3A_245 : i32
        %add3A_247 = arith.constant 208 : i32
        %add3A_248 = arith.addi %mul3A_246, %add3A_247 : i32
        %get3A_249 = arith.index_cast %add3A_248 : i32 to index
        %get3A_250 = tpu.vector_load %arg6[%get3A_249] {strides = array<i32>} : memref<32768xf32, #tpu.memory_space<vmem>>, vector<16xf32>,
        %mul3A_251 = arith.constant 256 : i32
        %mul3A_252 = arith.muli %scan3A_158, %mul3A_251 : i32
        %add3A_253 = arith.constant 224 : i32
        %add3A_254 = arith.addi %mul3A_252, %add3A_253 : i32
        %get3A_255 = arith.index_cast %add3A_254 : i32 to index
        %get3A_256 = tpu.vector_load %arg6[%get3A_255] {strides = array<i32>} : memref<32768xf32, #tpu.memory_space<vmem>>, vector<16xf32>,
        %mul3A_257 = arith.constant 256 : i32
        %mul3A_258 = arith.muli %scan3A_158, %mul3A_257 : i32
        %add3A_259 = arith.constant 240 : i32
        %add3A_260 = arith.addi %mul3A_258, %add3A_259 : i32
        %get3A_261 = arith.index_cast %add3A_260 : i32 to index
        %get3A_262 = tpu.vector_load %arg6[%get3A_261] {strides = array<i32>} : memref<32768xf32, #tpu.memory_space<vmem>>, vector<16xf32>,
        %add3A_263 = arith.addf %scan3A_159, %get3A_172 : vector<16xf32>
        %add3A_264 = arith.addf %scan3A_160, %get3A_178 : vector<16xf32>
        %add3A_265 = arith.addf %scan3A_161, %get3A_184 : vector<16xf32>
        %add3A_266 = arith.addf %scan3A_162, %get3A_190 : vector<16xf32>
        %add3A_267 = arith.addf %scan3A_163, %get3A_196 : vector<16xf32>
        %add3A_268 = arith.addf %scan3A_164, %get3A_202 : vector<16xf32>
        %add3A_269 = arith.addf %scan3A_165, %get3A_208 : vector<16xf32>
        %add3A_270 = arith.addf %scan3A_166, %get3A_214 : vector<16xf32>
        %add3A_271 = arith.addf %add3A_263, %get3A_220 : vector<16xf32>
        %add3A_272 = arith.addf %add3A_264, %get3A_226 : vector<16xf32>
        %add3A_273 = arith.addf %add3A_265, %get3A_232 : vector<16xf32>
        %add3A_274 = arith.addf %add3A_266, %get3A_238 : vector<16xf32>
        %add3A_275 = arith.addf %add3A_267, %get3A_244 : vector<16xf32>
        %add3A_276 = arith.addf %add3A_268, %get3A_250 : vector<16xf32>
        %add3A_277 = arith.addf %add3A_269, %get3A_256 : vector<16xf32>
        %add3A_278 = arith.addf %add3A_270, %get3A_262 : vector<16xf32>
        scf.yield %add3A_271, %add3A_272, %add3A_273, %add3A_274, %add3A_275, %add3A_276, %add3A_277, %add3A_278 : vector<16xf32>, vector<16xf32>, vector<16xf32>, vector<16xf32>, vector<16xf32>, vector<16xf32>, vector<16xf32>, vector<16xf32>
      }
      %scan3A_93 = arith.constant 128 : i32
      %add3A_94 = arith.addf %scan3A_92#0, %scan3A_92#1 : vector<16xf32>
      %add3A_95 = arith.addf %scan3A_92#2, %scan3A_92#3 : vector<16xf32>
      %add3A_96 = arith.addf %add3A_94, %add3A_95 : vector<16xf32>
      %add3A_97 = arith.addf %scan3A_92#4, %scan3A_92#5 : vector<16xf32>
      %add3A_98 = arith.addf %scan3A_92#6, %scan3A_92#7 : vector<16xf32>
      %add3A_99 = arith.addf %add3A_97, %add3A_98 : vector<16xf32>
      %add3A_100 = arith.addf %add3A_96, %add3A_99 : vector<16xf32>
      %get3A_101 = arith.constant 112 : index
      %get3A_102 = tpu.vector_load %arg7[%get3A_101] {strides = array<i32>} : memref<256xi32, #tpu.memory_space<vmem>>, vector<16xi32>,
      %gather3A_103 = tpu.vector_load_idx %arg6[%get3A_102] : memref<32768xf32, #tpu.memory_space<vmem>>[vector<16xi32>], vector<16xf32>,
      %swap3A_104 = arith.constant 112 : index
      %swap3A_105 = tpu.vector_load %arg8[%swap3A_104] {strides = array<i32>} : memref<128xf32, #tpu.memory_space<vmem>>, vector<16xf32>,
      tpu.vector_store %arg8[%swap3A_104], %gather3A_103 {strides = array<i32>} : memref<128xf32, #tpu.memory_space<vmem>>, vector<16xf32>,
      %add3A_106 = arith.addf %add3A_42, %add3A_100 : vector<16xf32>
      %reduce_sum3A = arith.constant true
      %reduce_sum3A_107 = vector.broadcast %reduce_sum3A : i1 to vector<16xi1>
      %reduce_sum3A_108 = tpu.scan <sum>, %add3A_106 masked %reduce_sum3A_107 : vector<16xf32>, vector<16xi1> -> vector<16xf32>
      %reduce_sum3A_109 = vector.extract %reduce_sum3A_108[15] : f32 from vector<16xf32>
      %broadcast_in_dim3A_110 = arith.constant 1.024000e+03 : f32
      %broadcast_in_dim3A_111 = vector.broadcast %broadcast_in_dim3A_110 : f32 to vector<16xf32>
      %broadcast_in_dim3A_112 = arith.constant 1.000000e+00 : f32
      %broadcast_in_dim3A_113 = vector.broadcast %broadcast_in_dim3A_112 : f32 to vector<16xf32>
      %mul3A_114 = vector.broadcast %reduce_sum3A_109 : f32 to vector<16xf32>
      %mul3A_115 = arith.mulf %broadcast_in_dim3A_113, %mul3A_114 : vector<16xf32>
      %div3A = arith.divf %broadcast_in_dim3A_111, %mul3A_115 : vector<16xf32>
      %get3A_116 = arith.constant 128 : index
      %get3A_117 = tpu.vector_load %arg7[%get3A_116] {strides = array<i32>} : memref<256xi32, #tpu.memory_space<vmem>>, vector<16xi32>,
      %get3A_118 = arith.constant 0 : index
      %get3A_119 = tpu.vector_load %arg8[%get3A_118] {strides = array<i32>} : memref<128xf32, #tpu.memory_space<vmem>>, vector<16xf32>,
      %mul3A_120 = arith.mulf %get3A_119, %div3A : vector<16xf32>
      tpu.vector_store_idx %arg9[%get3A_117], %mul3A_120 : memref<128xf32, #tpu.memory_space<vmem>>[vector<16xi32>], vector<16xf32>,
      %get3A_121 = arith.constant 144 : index
      %get3A_122 = tpu.vector_load %arg7[%get3A_121] {strides = array<i32>} : memref<256xi32, #tpu.memory_space<vmem>>, vector<16xi32>,
      %get3A_123 = arith.constant 16 : index
      %get3A_124 = tpu.vector_load %arg8[%get3A_123] {strides = array<i32>} : memref<128xf32, #tpu.memory_space<vmem>>, vector<16xf32>,
      %mul3A_125 = arith.mulf %get3A_124, %div3A : vector<16xf32>
      tpu.vector_store_idx %arg9[%get3A_122], %mul3A_125 : memref<128xf32, #tpu.memory_space<vmem>>[vector<16xi32>], vector<16xf32>,
      %get3A_126 = arith.constant 160 : index
      %get3A_127 = tpu.vector_load %arg7[%get3A_126] {strides = array<i32>} : memref<256xi32, #tpu.memory_space<vmem>>, vector<16xi32>,
      %get3A_128 = arith.constant 32 : index
      %get3A_129 = tpu.vector_load %arg8[%get3A_128] {strides = array<i32>} : memref<128xf32, #tpu.memory_space<vmem>>, vector<16xf32>,
      %mul3A_130 = arith.mulf %get3A_129, %div3A : vector<16xf32>
      tpu.vector_store_idx %arg9[%get3A_127], %mul3A_130 : memref<128xf32, #tpu.memory_space<vmem>>[vector<16xi32>], vector<16xf32>,
      %get3A_131 = arith.constant 176 : index
      %get3A_132 = tpu.vector_load %arg7[%get3A_131] {strides = array<i32>} : memref<256xi32, #tpu.memory_space<vmem>>, vector<16xi32>,
      %get3A_133 = arith.constant 48 : index
      %get3A_134 = tpu.vector_load %arg8[%get3A_133] {strides = array<i32>} : memref<128xf32, #tpu.memory_space<vmem>>, vector<16xf32>,
      %mul3A_135 = arith.mulf %get3A_134, %div3A : vector<16xf32>
      tpu.vector_store_idx %arg9[%get3A_132], %mul3A_135 : memref<128xf32, #tpu.memory_space<vmem>>[vector<16xi32>], vector<16xf32>,
      %get3A_136 = arith.constant 192 : index
      %get3A_137 = tpu.vector_load %arg7[%get3A_136] {strides = array<i32>} : memref<256xi32, #tpu.memory_space<vmem>>, vector<16xi32>,
      %get3A_138 = arith.constant 64 : index
      %get3A_139 = tpu.vector_load %arg8[%get3A_138] {strides = array<i32>} : memref<128xf32, #tpu.memory_space<vmem>>, vector<16xf32>,
      %mul3A_140 = arith.mulf %get3A_139, %div3A : vector<16xf32>
      tpu.vector_store_idx %arg9[%get3A_137], %mul3A_140 : memref<128xf32, #tpu.memory_space<vmem>>[vector<16xi32>], vector<16xf32>,
      %get3A_141 = arith.constant 208 : index
      %get3A_142 = tpu.vector_load %arg7[%get3A_141] {strides = array<i32>} : memref<256xi32, #tpu.memory_space<vmem>>, vector<16xi32>,
      %get3A_143 = arith.constant 80 : index
      %get3A_144 = tpu.vector_load %arg8[%get3A_143] {strides = array<i32>} : memref<128xf32, #tpu.memory_space<vmem>>, vector<16xf32>,
      %mul3A_145 = arith.mulf %get3A_144, %div3A : vector<16xf32>
      tpu.vector_store_idx %arg9[%get3A_142], %mul3A_145 : memref<128xf32, #tpu.memory_space<vmem>>[vector<16xi32>], vector<16xf32>,
      %get3A_146 = arith.constant 224 : index
      %get3A_147 = tpu.vector_load %arg7[%get3A_146] {strides = array<i32>} : memref<256xi32, #tpu.memory_space<vmem>>, vector<16xi32>,
      %get3A_148 = arith.constant 96 : index
      %get3A_149 = tpu.vector_load %arg8[%get3A_148] {strides = array<i32>} : memref<128xf32, #tpu.memory_space<vmem>>, vector<16xf32>,
      %mul3A_150 = arith.mulf %get3A_149, %div3A : vector<16xf32>
      tpu.vector_store_idx %arg9[%get3A_147], %mul3A_150 : memref<128xf32, #tpu.memory_space<vmem>>[vector<16xi32>], vector<16xf32>,
      %get3A_151 = arith.constant 240 : index
      %get3A_152 = tpu.vector_load %arg7[%get3A_151] {strides = array<i32>} : memref<256xi32, #tpu.memory_space<vmem>>, vector<16xi32>,
      %get3A_153 = arith.constant 112 : index
      %get3A_154 = tpu.vector_load %arg8[%get3A_153] {strides = array<i32>} : memref<128xf32, #tpu.memory_space<vmem>>, vector<16xf32>,
      %mul3A_155 = arith.mulf %get3A_154, %div3A : vector<16xf32>
      tpu.vector_store_idx %arg9[%get3A_152], %mul3A_155 : memref<128xf32, #tpu.memory_space<vmem>>[vector<16xi32>], vector<16xf32>,
      %sub3A = arith.constant 320 : i32
      %sub3A_156 = arith.subi %add3A_4, %sub3A : i32
      %add3A_157 = arith.addi %sub3A_156, %scan3A_15 : i32
      "tpu.region"() ({
        %run_scoped3A = tpu.sem_alloc : memref<!tpu.dma_semaphore, #tpu.memory_space<semaphore_mem>>
        %dma_start3A_158 = arith.constant 0 : i32
        %dma_start3A_159 = tpu.memref_slice %arg4[%add3A_157, %dma_start3A_158] : memref<192x128xf32, #tpu.memory_space<hbm>> -> memref<1x128xf32, #tpu.memory_space<hbm>>
        %dma_start3A_160 = tpu.memref_squeeze %dma_start3A_159 : memref<1x128xf32, #tpu.memory_space<hbm>> -> memref<128xf32, #tpu.memory_space<hbm>>
        %dma_start3A_161 = arith.constant 0 : i32
        %dma_start3A_162 = tpu.memref_slice %arg4[%add3A_157, %dma_start3A_161] : memref<192x128xf32, #tpu.memory_space<hbm>> -> memref<1x128xf32, #tpu.memory_space<hbm>>
        %dma_start3A_163 = tpu.memref_squeeze %dma_start3A_162 : memref<1x128xf32, #tpu.memory_space<hbm>> -> memref<128xf32, #tpu.memory_space<hbm>>
        tpu.enqueue_dma source(%arg9 : memref<128xf32, #tpu.memory_space<vmem>>) target(%dma_start3A_163 : memref<128xf32, #tpu.memory_space<hbm>>) target_semaphore(%run_scoped3A : memref<!tpu.dma_semaphore, #tpu.memory_space<semaphore_mem>>)
        %dma_wait3A_164 = arith.constant 0 : i32
        %dma_wait3A_165 = tpu.memref_slice %arg4[%add3A_157, %dma_wait3A_164] : memref<192x128xf32, #tpu.memory_space<hbm>> -> memref<1x128xf32, #tpu.memory_space<hbm>>
        %dma_wait3A_166 = tpu.memref_squeeze %dma_wait3A_165 : memref<1x128xf32, #tpu.memory_space<hbm>> -> memref<128xf32, #tpu.memory_space<hbm>>
        %dma_wait3A_167 = arith.constant 0 : i32
        %dma_wait3A_168 = tpu.memref_slice %arg4[%add3A_157, %dma_wait3A_167] : memref<192x128xf32, #tpu.memory_space<hbm>> -> memref<1x128xf32, #tpu.memory_space<hbm>>
        %dma_wait3A_169 = tpu.memref_squeeze %dma_wait3A_168 : memref<1x128xf32, #tpu.memory_space<hbm>> -> memref<128xf32, #tpu.memory_space<hbm>>
        tpu.wait_dma2 semaphore(%run_scoped3A : memref<!tpu.dma_semaphore, #tpu.memory_space<semaphore_mem>>) src(%arg9 : memref<128xf32, #tpu.memory_space<vmem>>) dst(%dma_wait3A_169 : memref<128xf32, #tpu.memory_space<hbm>>)
        tpu.yield
      }) : () -> ()
    }
    %scan3A_14 = arith.constant 6 : i32
    return
  }
}

module attributes {stable_mosaic.version = 14 : i64} {
  func.func @_tc_body(%arg0: i32, %arg1: memref<32x65536xf32, #tpu.memory_space<vmem>>, %arg2: memref<32x120xf32, #tpu.memory_space<vmem>>) attributes {dimension_semantics = [#tpu.dimension_semantics<arbitrary>], iteration_bounds = array<i64: 10>, scalar_prefetch = 0 : i64, scratch_operands = 0 : i64, tpu.core_type = #tpu.core_type<tc>, window_params = [{transform_indices = @transform_0, window_bounds = array<i64: 32, 65536>}, {transform_indices = @transform_1, window_bounds = array<i64: 32, 120>}]} {
    %get3A = arith.constant 0 : index
    %get3A_0 = arith.constant 0 : index
    %get3A_1 = vector.load %arg1[%get3A, %get3A_0] : memref<32x65536xf32, #tpu.memory_space<vmem>>, vector<32x65536xf32>
    %reduce_sum3A = arith.constant dense<0.000000e+00> : vector<32xf32>
    %reduce_sum3A_2 = vector.multi_reduction <add>, %get3A_1, %reduce_sum3A [1] : vector<32x65536xf32> to vector<32xf32>
    %div3A = arith.constant 1.024000e+03 : f32
    %div3A_3 = vector.broadcast %div3A : f32 to vector<32xf32>
    %div3A_4 = arith.divf %div3A_3, %reduce_sum3A_2 : vector<32xf32>
    %slice3A = vector.extract_strided_slice %get3A_1 {offsets = [0, 49152], sizes = [32, 1], strides = [1, 1]} : vector<32x65536xf32> to vector<32x1xf32>
    %squeeze3A = vector.shape_cast %slice3A : vector<32x1xf32> to vector<32xf32>
    %slice3A_5 = vector.extract_strided_slice %get3A_1 {offsets = [0, 40960], sizes = [32, 1], strides = [1, 1]} : vector<32x65536xf32> to vector<32x1xf32>
    %squeeze3A_6 = vector.shape_cast %slice3A_5 : vector<32x1xf32> to vector<32xf32>
    %slice3A_7 = vector.extract_strided_slice %get3A_1 {offsets = [0, 36864], sizes = [32, 1], strides = [1, 1]} : vector<32x65536xf32> to vector<32x1xf32>
    %squeeze3A_8 = vector.shape_cast %slice3A_7 : vector<32x1xf32> to vector<32xf32>
    %slice3A_9 = vector.extract_strided_slice %get3A_1 {offsets = [0, 34816], sizes = [32, 1], strides = [1, 1]} : vector<32x65536xf32> to vector<32x1xf32>
    %squeeze3A_10 = vector.shape_cast %slice3A_9 : vector<32x1xf32> to vector<32xf32>
    %slice3A_11 = vector.extract_strided_slice %get3A_1 {offsets = [0, 33792], sizes = [32, 1], strides = [1, 1]} : vector<32x65536xf32> to vector<32x1xf32>
    %squeeze3A_12 = vector.shape_cast %slice3A_11 : vector<32x1xf32> to vector<32xf32>
    %slice3A_13 = vector.extract_strided_slice %get3A_1 {offsets = [0, 33280], sizes = [32, 1], strides = [1, 1]} : vector<32x65536xf32> to vector<32x1xf32>
    %squeeze3A_14 = vector.shape_cast %slice3A_13 : vector<32x1xf32> to vector<32xf32>
    %slice3A_15 = vector.extract_strided_slice %get3A_1 {offsets = [0, 33024], sizes = [32, 1], strides = [1, 1]} : vector<32x65536xf32> to vector<32x1xf32>
    %squeeze3A_16 = vector.shape_cast %slice3A_15 : vector<32x1xf32> to vector<32xf32>
    %slice3A_17 = vector.extract_strided_slice %get3A_1 {offsets = [0, 32896], sizes = [32, 1], strides = [1, 1]} : vector<32x65536xf32> to vector<32x1xf32>
    %squeeze3A_18 = vector.shape_cast %slice3A_17 : vector<32x1xf32> to vector<32xf32>
    %slice3A_19 = vector.extract_strided_slice %get3A_1 {offsets = [0, 32832], sizes = [32, 1], strides = [1, 1]} : vector<32x65536xf32> to vector<32x1xf32>
    %squeeze3A_20 = vector.shape_cast %slice3A_19 : vector<32x1xf32> to vector<32xf32>
    %slice3A_21 = vector.extract_strided_slice %get3A_1 {offsets = [0, 32800], sizes = [32, 1], strides = [1, 1]} : vector<32x65536xf32> to vector<32x1xf32>
    %squeeze3A_22 = vector.shape_cast %slice3A_21 : vector<32x1xf32> to vector<32xf32>
    %slice3A_23 = vector.extract_strided_slice %get3A_1 {offsets = [0, 32784], sizes = [32, 1], strides = [1, 1]} : vector<32x65536xf32> to vector<32x1xf32>
    %squeeze3A_24 = vector.shape_cast %slice3A_23 : vector<32x1xf32> to vector<32xf32>
    %slice3A_25 = vector.extract_strided_slice %get3A_1 {offsets = [0, 32776], sizes = [32, 1], strides = [1, 1]} : vector<32x65536xf32> to vector<32x1xf32>
    %squeeze3A_26 = vector.shape_cast %slice3A_25 : vector<32x1xf32> to vector<32xf32>
    %slice3A_27 = vector.extract_strided_slice %get3A_1 {offsets = [0, 32772], sizes = [32, 1], strides = [1, 1]} : vector<32x65536xf32> to vector<32x1xf32>
    %squeeze3A_28 = vector.shape_cast %slice3A_27 : vector<32x1xf32> to vector<32xf32>
    %slice3A_29 = vector.extract_strided_slice %get3A_1 {offsets = [0, 32770], sizes = [32, 1], strides = [1, 1]} : vector<32x65536xf32> to vector<32x1xf32>
    %squeeze3A_30 = vector.shape_cast %slice3A_29 : vector<32x1xf32> to vector<32xf32>
    %slice3A_31 = vector.extract_strided_slice %get3A_1 {offsets = [0, 32769], sizes = [32, 1], strides = [1, 1]} : vector<32x65536xf32> to vector<32x1xf32>
    %squeeze3A_32 = vector.shape_cast %slice3A_31 : vector<32x1xf32> to vector<32xf32>
    %slice3A_33 = vector.extract_strided_slice %get3A_1 {offsets = [0, 24576], sizes = [32, 1], strides = [1, 1]} : vector<32x65536xf32> to vector<32x1xf32>
    %squeeze3A_34 = vector.shape_cast %slice3A_33 : vector<32x1xf32> to vector<32xf32>
    %slice3A_35 = vector.extract_strided_slice %get3A_1 {offsets = [0, 20480], sizes = [32, 1], strides = [1, 1]} : vector<32x65536xf32> to vector<32x1xf32>
    %squeeze3A_36 = vector.shape_cast %slice3A_35 : vector<32x1xf32> to vector<32xf32>
    %slice3A_37 = vector.extract_strided_slice %get3A_1 {offsets = [0, 18432], sizes = [32, 1], strides = [1, 1]} : vector<32x65536xf32> to vector<32x1xf32>
    %squeeze3A_38 = vector.shape_cast %slice3A_37 : vector<32x1xf32> to vector<32xf32>
    %slice3A_39 = vector.extract_strided_slice %get3A_1 {offsets = [0, 17408], sizes = [32, 1], strides = [1, 1]} : vector<32x65536xf32> to vector<32x1xf32>
    %squeeze3A_40 = vector.shape_cast %slice3A_39 : vector<32x1xf32> to vector<32xf32>
    %slice3A_41 = vector.extract_strided_slice %get3A_1 {offsets = [0, 16896], sizes = [32, 1], strides = [1, 1]} : vector<32x65536xf32> to vector<32x1xf32>
    %squeeze3A_42 = vector.shape_cast %slice3A_41 : vector<32x1xf32> to vector<32xf32>
    %slice3A_43 = vector.extract_strided_slice %get3A_1 {offsets = [0, 16640], sizes = [32, 1], strides = [1, 1]} : vector<32x65536xf32> to vector<32x1xf32>
    %squeeze3A_44 = vector.shape_cast %slice3A_43 : vector<32x1xf32> to vector<32xf32>
    %slice3A_45 = vector.extract_strided_slice %get3A_1 {offsets = [0, 16512], sizes = [32, 1], strides = [1, 1]} : vector<32x65536xf32> to vector<32x1xf32>
    %squeeze3A_46 = vector.shape_cast %slice3A_45 : vector<32x1xf32> to vector<32xf32>
    %slice3A_47 = vector.extract_strided_slice %get3A_1 {offsets = [0, 16448], sizes = [32, 1], strides = [1, 1]} : vector<32x65536xf32> to vector<32x1xf32>
    %squeeze3A_48 = vector.shape_cast %slice3A_47 : vector<32x1xf32> to vector<32xf32>
    %slice3A_49 = vector.extract_strided_slice %get3A_1 {offsets = [0, 16416], sizes = [32, 1], strides = [1, 1]} : vector<32x65536xf32> to vector<32x1xf32>
    %squeeze3A_50 = vector.shape_cast %slice3A_49 : vector<32x1xf32> to vector<32xf32>
    %slice3A_51 = vector.extract_strided_slice %get3A_1 {offsets = [0, 16400], sizes = [32, 1], strides = [1, 1]} : vector<32x65536xf32> to vector<32x1xf32>
    %squeeze3A_52 = vector.shape_cast %slice3A_51 : vector<32x1xf32> to vector<32xf32>
    %slice3A_53 = vector.extract_strided_slice %get3A_1 {offsets = [0, 16392], sizes = [32, 1], strides = [1, 1]} : vector<32x65536xf32> to vector<32x1xf32>
    %squeeze3A_54 = vector.shape_cast %slice3A_53 : vector<32x1xf32> to vector<32xf32>
    %slice3A_55 = vector.extract_strided_slice %get3A_1 {offsets = [0, 16388], sizes = [32, 1], strides = [1, 1]} : vector<32x65536xf32> to vector<32x1xf32>
    %squeeze3A_56 = vector.shape_cast %slice3A_55 : vector<32x1xf32> to vector<32xf32>
    %slice3A_57 = vector.extract_strided_slice %get3A_1 {offsets = [0, 16386], sizes = [32, 1], strides = [1, 1]} : vector<32x65536xf32> to vector<32x1xf32>
    %squeeze3A_58 = vector.shape_cast %slice3A_57 : vector<32x1xf32> to vector<32xf32>
    %slice3A_59 = vector.extract_strided_slice %get3A_1 {offsets = [0, 16385], sizes = [32, 1], strides = [1, 1]} : vector<32x65536xf32> to vector<32x1xf32>
    %squeeze3A_60 = vector.shape_cast %slice3A_59 : vector<32x1xf32> to vector<32xf32>
    %slice3A_61 = vector.extract_strided_slice %get3A_1 {offsets = [0, 12288], sizes = [32, 1], strides = [1, 1]} : vector<32x65536xf32> to vector<32x1xf32>
    %squeeze3A_62 = vector.shape_cast %slice3A_61 : vector<32x1xf32> to vector<32xf32>
    %slice3A_63 = vector.extract_strided_slice %get3A_1 {offsets = [0, 10240], sizes = [32, 1], strides = [1, 1]} : vector<32x65536xf32> to vector<32x1xf32>
    %squeeze3A_64 = vector.shape_cast %slice3A_63 : vector<32x1xf32> to vector<32xf32>
    %slice3A_65 = vector.extract_strided_slice %get3A_1 {offsets = [0, 9216], sizes = [32, 1], strides = [1, 1]} : vector<32x65536xf32> to vector<32x1xf32>
    %squeeze3A_66 = vector.shape_cast %slice3A_65 : vector<32x1xf32> to vector<32xf32>
    %slice3A_67 = vector.extract_strided_slice %get3A_1 {offsets = [0, 8704], sizes = [32, 1], strides = [1, 1]} : vector<32x65536xf32> to vector<32x1xf32>
    %squeeze3A_68 = vector.shape_cast %slice3A_67 : vector<32x1xf32> to vector<32xf32>
    %slice3A_69 = vector.extract_strided_slice %get3A_1 {offsets = [0, 8448], sizes = [32, 1], strides = [1, 1]} : vector<32x65536xf32> to vector<32x1xf32>
    %squeeze3A_70 = vector.shape_cast %slice3A_69 : vector<32x1xf32> to vector<32xf32>
    %slice3A_71 = vector.extract_strided_slice %get3A_1 {offsets = [0, 8320], sizes = [32, 1], strides = [1, 1]} : vector<32x65536xf32> to vector<32x1xf32>
    %squeeze3A_72 = vector.shape_cast %slice3A_71 : vector<32x1xf32> to vector<32xf32>
    %slice3A_73 = vector.extract_strided_slice %get3A_1 {offsets = [0, 8256], sizes = [32, 1], strides = [1, 1]} : vector<32x65536xf32> to vector<32x1xf32>
    %squeeze3A_74 = vector.shape_cast %slice3A_73 : vector<32x1xf32> to vector<32xf32>
    %slice3A_75 = vector.extract_strided_slice %get3A_1 {offsets = [0, 8224], sizes = [32, 1], strides = [1, 1]} : vector<32x65536xf32> to vector<32x1xf32>
    %squeeze3A_76 = vector.shape_cast %slice3A_75 : vector<32x1xf32> to vector<32xf32>
    %slice3A_77 = vector.extract_strided_slice %get3A_1 {offsets = [0, 8208], sizes = [32, 1], strides = [1, 1]} : vector<32x65536xf32> to vector<32x1xf32>
    %squeeze3A_78 = vector.shape_cast %slice3A_77 : vector<32x1xf32> to vector<32xf32>
    %slice3A_79 = vector.extract_strided_slice %get3A_1 {offsets = [0, 8200], sizes = [32, 1], strides = [1, 1]} : vector<32x65536xf32> to vector<32x1xf32>
    %squeeze3A_80 = vector.shape_cast %slice3A_79 : vector<32x1xf32> to vector<32xf32>
    %slice3A_81 = vector.extract_strided_slice %get3A_1 {offsets = [0, 8196], sizes = [32, 1], strides = [1, 1]} : vector<32x65536xf32> to vector<32x1xf32>
    %squeeze3A_82 = vector.shape_cast %slice3A_81 : vector<32x1xf32> to vector<32xf32>
    %slice3A_83 = vector.extract_strided_slice %get3A_1 {offsets = [0, 8194], sizes = [32, 1], strides = [1, 1]} : vector<32x65536xf32> to vector<32x1xf32>
    %squeeze3A_84 = vector.shape_cast %slice3A_83 : vector<32x1xf32> to vector<32xf32>
    %slice3A_85 = vector.extract_strided_slice %get3A_1 {offsets = [0, 8193], sizes = [32, 1], strides = [1, 1]} : vector<32x65536xf32> to vector<32x1xf32>
    %squeeze3A_86 = vector.shape_cast %slice3A_85 : vector<32x1xf32> to vector<32xf32>
    %slice3A_87 = vector.extract_strided_slice %get3A_1 {offsets = [0, 6144], sizes = [32, 1], strides = [1, 1]} : vector<32x65536xf32> to vector<32x1xf32>
    %squeeze3A_88 = vector.shape_cast %slice3A_87 : vector<32x1xf32> to vector<32xf32>
    %slice3A_89 = vector.extract_strided_slice %get3A_1 {offsets = [0, 5120], sizes = [32, 1], strides = [1, 1]} : vector<32x65536xf32> to vector<32x1xf32>
    %squeeze3A_90 = vector.shape_cast %slice3A_89 : vector<32x1xf32> to vector<32xf32>
    %slice3A_91 = vector.extract_strided_slice %get3A_1 {offsets = [0, 4608], sizes = [32, 1], strides = [1, 1]} : vector<32x65536xf32> to vector<32x1xf32>
    %squeeze3A_92 = vector.shape_cast %slice3A_91 : vector<32x1xf32> to vector<32xf32>
    %slice3A_93 = vector.extract_strided_slice %get3A_1 {offsets = [0, 4352], sizes = [32, 1], strides = [1, 1]} : vector<32x65536xf32> to vector<32x1xf32>
    %squeeze3A_94 = vector.shape_cast %slice3A_93 : vector<32x1xf32> to vector<32xf32>
    %slice3A_95 = vector.extract_strided_slice %get3A_1 {offsets = [0, 4224], sizes = [32, 1], strides = [1, 1]} : vector<32x65536xf32> to vector<32x1xf32>
    %squeeze3A_96 = vector.shape_cast %slice3A_95 : vector<32x1xf32> to vector<32xf32>
    %slice3A_97 = vector.extract_strided_slice %get3A_1 {offsets = [0, 4160], sizes = [32, 1], strides = [1, 1]} : vector<32x65536xf32> to vector<32x1xf32>
    %squeeze3A_98 = vector.shape_cast %slice3A_97 : vector<32x1xf32> to vector<32xf32>
    %slice3A_99 = vector.extract_strided_slice %get3A_1 {offsets = [0, 4128], sizes = [32, 1], strides = [1, 1]} : vector<32x65536xf32> to vector<32x1xf32>
    %squeeze3A_100 = vector.shape_cast %slice3A_99 : vector<32x1xf32> to vector<32xf32>
    %slice3A_101 = vector.extract_strided_slice %get3A_1 {offsets = [0, 4112], sizes = [32, 1], strides = [1, 1]} : vector<32x65536xf32> to vector<32x1xf32>
    %squeeze3A_102 = vector.shape_cast %slice3A_101 : vector<32x1xf32> to vector<32xf32>
    %slice3A_103 = vector.extract_strided_slice %get3A_1 {offsets = [0, 4104], sizes = [32, 1], strides = [1, 1]} : vector<32x65536xf32> to vector<32x1xf32>
    %squeeze3A_104 = vector.shape_cast %slice3A_103 : vector<32x1xf32> to vector<32xf32>
    %slice3A_105 = vector.extract_strided_slice %get3A_1 {offsets = [0, 4100], sizes = [32, 1], strides = [1, 1]} : vector<32x65536xf32> to vector<32x1xf32>
    %squeeze3A_106 = vector.shape_cast %slice3A_105 : vector<32x1xf32> to vector<32xf32>
    %slice3A_107 = vector.extract_strided_slice %get3A_1 {offsets = [0, 4098], sizes = [32, 1], strides = [1, 1]} : vector<32x65536xf32> to vector<32x1xf32>
    %squeeze3A_108 = vector.shape_cast %slice3A_107 : vector<32x1xf32> to vector<32xf32>
    %slice3A_109 = vector.extract_strided_slice %get3A_1 {offsets = [0, 4097], sizes = [32, 1], strides = [1, 1]} : vector<32x65536xf32> to vector<32x1xf32>
    %squeeze3A_110 = vector.shape_cast %slice3A_109 : vector<32x1xf32> to vector<32xf32>
    %slice3A_111 = vector.extract_strided_slice %get3A_1 {offsets = [0, 3072], sizes = [32, 1], strides = [1, 1]} : vector<32x65536xf32> to vector<32x1xf32>
    %squeeze3A_112 = vector.shape_cast %slice3A_111 : vector<32x1xf32> to vector<32xf32>
    %slice3A_113 = vector.extract_strided_slice %get3A_1 {offsets = [0, 2560], sizes = [32, 1], strides = [1, 1]} : vector<32x65536xf32> to vector<32x1xf32>
    %squeeze3A_114 = vector.shape_cast %slice3A_113 : vector<32x1xf32> to vector<32xf32>
    %slice3A_115 = vector.extract_strided_slice %get3A_1 {offsets = [0, 2304], sizes = [32, 1], strides = [1, 1]} : vector<32x65536xf32> to vector<32x1xf32>
    %squeeze3A_116 = vector.shape_cast %slice3A_115 : vector<32x1xf32> to vector<32xf32>
    %slice3A_117 = vector.extract_strided_slice %get3A_1 {offsets = [0, 2176], sizes = [32, 1], strides = [1, 1]} : vector<32x65536xf32> to vector<32x1xf32>
    %squeeze3A_118 = vector.shape_cast %slice3A_117 : vector<32x1xf32> to vector<32xf32>
    %slice3A_119 = vector.extract_strided_slice %get3A_1 {offsets = [0, 2112], sizes = [32, 1], strides = [1, 1]} : vector<32x65536xf32> to vector<32x1xf32>
    %squeeze3A_120 = vector.shape_cast %slice3A_119 : vector<32x1xf32> to vector<32xf32>
    %slice3A_121 = vector.extract_strided_slice %get3A_1 {offsets = [0, 2080], sizes = [32, 1], strides = [1, 1]} : vector<32x65536xf32> to vector<32x1xf32>
    %squeeze3A_122 = vector.shape_cast %slice3A_121 : vector<32x1xf32> to vector<32xf32>
    %slice3A_123 = vector.extract_strided_slice %get3A_1 {offsets = [0, 2064], sizes = [32, 1], strides = [1, 1]} : vector<32x65536xf32> to vector<32x1xf32>
    %squeeze3A_124 = vector.shape_cast %slice3A_123 : vector<32x1xf32> to vector<32xf32>
    %slice3A_125 = vector.extract_strided_slice %get3A_1 {offsets = [0, 2056], sizes = [32, 1], strides = [1, 1]} : vector<32x65536xf32> to vector<32x1xf32>
    %squeeze3A_126 = vector.shape_cast %slice3A_125 : vector<32x1xf32> to vector<32xf32>
    %slice3A_127 = vector.extract_strided_slice %get3A_1 {offsets = [0, 2052], sizes = [32, 1], strides = [1, 1]} : vector<32x65536xf32> to vector<32x1xf32>
    %squeeze3A_128 = vector.shape_cast %slice3A_127 : vector<32x1xf32> to vector<32xf32>
    %slice3A_129 = vector.extract_strided_slice %get3A_1 {offsets = [0, 2050], sizes = [32, 1], strides = [1, 1]} : vector<32x65536xf32> to vector<32x1xf32>
    %squeeze3A_130 = vector.shape_cast %slice3A_129 : vector<32x1xf32> to vector<32xf32>
    %slice3A_131 = vector.extract_strided_slice %get3A_1 {offsets = [0, 2049], sizes = [32, 1], strides = [1, 1]} : vector<32x65536xf32> to vector<32x1xf32>
    %squeeze3A_132 = vector.shape_cast %slice3A_131 : vector<32x1xf32> to vector<32xf32>
    %slice3A_133 = vector.extract_strided_slice %get3A_1 {offsets = [0, 1536], sizes = [32, 1], strides = [1, 1]} : vector<32x65536xf32> to vector<32x1xf32>
    %squeeze3A_134 = vector.shape_cast %slice3A_133 : vector<32x1xf32> to vector<32xf32>
    %slice3A_135 = vector.extract_strided_slice %get3A_1 {offsets = [0, 1280], sizes = [32, 1], strides = [1, 1]} : vector<32x65536xf32> to vector<32x1xf32>
    %squeeze3A_136 = vector.shape_cast %slice3A_135 : vector<32x1xf32> to vector<32xf32>
    %slice3A_137 = vector.extract_strided_slice %get3A_1 {offsets = [0, 1152], sizes = [32, 1], strides = [1, 1]} : vector<32x65536xf32> to vector<32x1xf32>
    %squeeze3A_138 = vector.shape_cast %slice3A_137 : vector<32x1xf32> to vector<32xf32>
    %slice3A_139 = vector.extract_strided_slice %get3A_1 {offsets = [0, 1088], sizes = [32, 1], strides = [1, 1]} : vector<32x65536xf32> to vector<32x1xf32>
    %squeeze3A_140 = vector.shape_cast %slice3A_139 : vector<32x1xf32> to vector<32xf32>
    %slice3A_141 = vector.extract_strided_slice %get3A_1 {offsets = [0, 1056], sizes = [32, 1], strides = [1, 1]} : vector<32x65536xf32> to vector<32x1xf32>
    %squeeze3A_142 = vector.shape_cast %slice3A_141 : vector<32x1xf32> to vector<32xf32>
    %slice3A_143 = vector.extract_strided_slice %get3A_1 {offsets = [0, 1040], sizes = [32, 1], strides = [1, 1]} : vector<32x65536xf32> to vector<32x1xf32>
    %squeeze3A_144 = vector.shape_cast %slice3A_143 : vector<32x1xf32> to vector<32xf32>
    %slice3A_145 = vector.extract_strided_slice %get3A_1 {offsets = [0, 1032], sizes = [32, 1], strides = [1, 1]} : vector<32x65536xf32> to vector<32x1xf32>
    %squeeze3A_146 = vector.shape_cast %slice3A_145 : vector<32x1xf32> to vector<32xf32>
    %slice3A_147 = vector.extract_strided_slice %get3A_1 {offsets = [0, 1028], sizes = [32, 1], strides = [1, 1]} : vector<32x65536xf32> to vector<32x1xf32>
    %squeeze3A_148 = vector.shape_cast %slice3A_147 : vector<32x1xf32> to vector<32xf32>
    %slice3A_149 = vector.extract_strided_slice %get3A_1 {offsets = [0, 1026], sizes = [32, 1], strides = [1, 1]} : vector<32x65536xf32> to vector<32x1xf32>
    %squeeze3A_150 = vector.shape_cast %slice3A_149 : vector<32x1xf32> to vector<32xf32>
    %slice3A_151 = vector.extract_strided_slice %get3A_1 {offsets = [0, 1025], sizes = [32, 1], strides = [1, 1]} : vector<32x65536xf32> to vector<32x1xf32>
    %squeeze3A_152 = vector.shape_cast %slice3A_151 : vector<32x1xf32> to vector<32xf32>
    %slice3A_153 = vector.extract_strided_slice %get3A_1 {offsets = [0, 768], sizes = [32, 1], strides = [1, 1]} : vector<32x65536xf32> to vector<32x1xf32>
    %squeeze3A_154 = vector.shape_cast %slice3A_153 : vector<32x1xf32> to vector<32xf32>
    %slice3A_155 = vector.extract_strided_slice %get3A_1 {offsets = [0, 640], sizes = [32, 1], strides = [1, 1]} : vector<32x65536xf32> to vector<32x1xf32>
    %squeeze3A_156 = vector.shape_cast %slice3A_155 : vector<32x1xf32> to vector<32xf32>
    %slice3A_157 = vector.extract_strided_slice %get3A_1 {offsets = [0, 576], sizes = [32, 1], strides = [1, 1]} : vector<32x65536xf32> to vector<32x1xf32>
    %squeeze3A_158 = vector.shape_cast %slice3A_157 : vector<32x1xf32> to vector<32xf32>
    %slice3A_159 = vector.extract_strided_slice %get3A_1 {offsets = [0, 544], sizes = [32, 1], strides = [1, 1]} : vector<32x65536xf32> to vector<32x1xf32>
    %squeeze3A_160 = vector.shape_cast %slice3A_159 : vector<32x1xf32> to vector<32xf32>
    %slice3A_161 = vector.extract_strided_slice %get3A_1 {offsets = [0, 528], sizes = [32, 1], strides = [1, 1]} : vector<32x65536xf32> to vector<32x1xf32>
    %squeeze3A_162 = vector.shape_cast %slice3A_161 : vector<32x1xf32> to vector<32xf32>
    %slice3A_163 = vector.extract_strided_slice %get3A_1 {offsets = [0, 520], sizes = [32, 1], strides = [1, 1]} : vector<32x65536xf32> to vector<32x1xf32>
    %squeeze3A_164 = vector.shape_cast %slice3A_163 : vector<32x1xf32> to vector<32xf32>
    %slice3A_165 = vector.extract_strided_slice %get3A_1 {offsets = [0, 516], sizes = [32, 1], strides = [1, 1]} : vector<32x65536xf32> to vector<32x1xf32>
    %squeeze3A_166 = vector.shape_cast %slice3A_165 : vector<32x1xf32> to vector<32xf32>
    %slice3A_167 = vector.extract_strided_slice %get3A_1 {offsets = [0, 514], sizes = [32, 1], strides = [1, 1]} : vector<32x65536xf32> to vector<32x1xf32>
    %squeeze3A_168 = vector.shape_cast %slice3A_167 : vector<32x1xf32> to vector<32xf32>
    %slice3A_169 = vector.extract_strided_slice %get3A_1 {offsets = [0, 513], sizes = [32, 1], strides = [1, 1]} : vector<32x65536xf32> to vector<32x1xf32>
    %squeeze3A_170 = vector.shape_cast %slice3A_169 : vector<32x1xf32> to vector<32xf32>
    %slice3A_171 = vector.extract_strided_slice %get3A_1 {offsets = [0, 384], sizes = [32, 1], strides = [1, 1]} : vector<32x65536xf32> to vector<32x1xf32>
    %squeeze3A_172 = vector.shape_cast %slice3A_171 : vector<32x1xf32> to vector<32xf32>
    %slice3A_173 = vector.extract_strided_slice %get3A_1 {offsets = [0, 320], sizes = [32, 1], strides = [1, 1]} : vector<32x65536xf32> to vector<32x1xf32>
    %squeeze3A_174 = vector.shape_cast %slice3A_173 : vector<32x1xf32> to vector<32xf32>
    %slice3A_175 = vector.extract_strided_slice %get3A_1 {offsets = [0, 288], sizes = [32, 1], strides = [1, 1]} : vector<32x65536xf32> to vector<32x1xf32>
    %squeeze3A_176 = vector.shape_cast %slice3A_175 : vector<32x1xf32> to vector<32xf32>
    %slice3A_177 = vector.extract_strided_slice %get3A_1 {offsets = [0, 272], sizes = [32, 1], strides = [1, 1]} : vector<32x65536xf32> to vector<32x1xf32>
    %squeeze3A_178 = vector.shape_cast %slice3A_177 : vector<32x1xf32> to vector<32xf32>
    %slice3A_179 = vector.extract_strided_slice %get3A_1 {offsets = [0, 264], sizes = [32, 1], strides = [1, 1]} : vector<32x65536xf32> to vector<32x1xf32>
    %squeeze3A_180 = vector.shape_cast %slice3A_179 : vector<32x1xf32> to vector<32xf32>
    %slice3A_181 = vector.extract_strided_slice %get3A_1 {offsets = [0, 260], sizes = [32, 1], strides = [1, 1]} : vector<32x65536xf32> to vector<32x1xf32>
    %squeeze3A_182 = vector.shape_cast %slice3A_181 : vector<32x1xf32> to vector<32xf32>
    %slice3A_183 = vector.extract_strided_slice %get3A_1 {offsets = [0, 258], sizes = [32, 1], strides = [1, 1]} : vector<32x65536xf32> to vector<32x1xf32>
    %squeeze3A_184 = vector.shape_cast %slice3A_183 : vector<32x1xf32> to vector<32xf32>
    %slice3A_185 = vector.extract_strided_slice %get3A_1 {offsets = [0, 257], sizes = [32, 1], strides = [1, 1]} : vector<32x65536xf32> to vector<32x1xf32>
    %squeeze3A_186 = vector.shape_cast %slice3A_185 : vector<32x1xf32> to vector<32xf32>
    %slice3A_187 = vector.extract_strided_slice %get3A_1 {offsets = [0, 192], sizes = [32, 1], strides = [1, 1]} : vector<32x65536xf32> to vector<32x1xf32>
    %squeeze3A_188 = vector.shape_cast %slice3A_187 : vector<32x1xf32> to vector<32xf32>
    %slice3A_189 = vector.extract_strided_slice %get3A_1 {offsets = [0, 160], sizes = [32, 1], strides = [1, 1]} : vector<32x65536xf32> to vector<32x1xf32>
    %squeeze3A_190 = vector.shape_cast %slice3A_189 : vector<32x1xf32> to vector<32xf32>
    %slice3A_191 = vector.extract_strided_slice %get3A_1 {offsets = [0, 144], sizes = [32, 1], strides = [1, 1]} : vector<32x65536xf32> to vector<32x1xf32>
    %squeeze3A_192 = vector.shape_cast %slice3A_191 : vector<32x1xf32> to vector<32xf32>
    %slice3A_193 = vector.extract_strided_slice %get3A_1 {offsets = [0, 136], sizes = [32, 1], strides = [1, 1]} : vector<32x65536xf32> to vector<32x1xf32>
    %squeeze3A_194 = vector.shape_cast %slice3A_193 : vector<32x1xf32> to vector<32xf32>
    %slice3A_195 = vector.extract_strided_slice %get3A_1 {offsets = [0, 132], sizes = [32, 1], strides = [1, 1]} : vector<32x65536xf32> to vector<32x1xf32>
    %squeeze3A_196 = vector.shape_cast %slice3A_195 : vector<32x1xf32> to vector<32xf32>
    %slice3A_197 = vector.extract_strided_slice %get3A_1 {offsets = [0, 130], sizes = [32, 1], strides = [1, 1]} : vector<32x65536xf32> to vector<32x1xf32>
    %squeeze3A_198 = vector.shape_cast %slice3A_197 : vector<32x1xf32> to vector<32xf32>
    %slice3A_199 = vector.extract_strided_slice %get3A_1 {offsets = [0, 129], sizes = [32, 1], strides = [1, 1]} : vector<32x65536xf32> to vector<32x1xf32>
    %squeeze3A_200 = vector.shape_cast %slice3A_199 : vector<32x1xf32> to vector<32xf32>
    %slice3A_201 = vector.extract_strided_slice %get3A_1 {offsets = [0, 96], sizes = [32, 1], strides = [1, 1]} : vector<32x65536xf32> to vector<32x1xf32>
    %squeeze3A_202 = vector.shape_cast %slice3A_201 : vector<32x1xf32> to vector<32xf32>
    %slice3A_203 = vector.extract_strided_slice %get3A_1 {offsets = [0, 80], sizes = [32, 1], strides = [1, 1]} : vector<32x65536xf32> to vector<32x1xf32>
    %squeeze3A_204 = vector.shape_cast %slice3A_203 : vector<32x1xf32> to vector<32xf32>
    %slice3A_205 = vector.extract_strided_slice %get3A_1 {offsets = [0, 72], sizes = [32, 1], strides = [1, 1]} : vector<32x65536xf32> to vector<32x1xf32>
    %squeeze3A_206 = vector.shape_cast %slice3A_205 : vector<32x1xf32> to vector<32xf32>
    %slice3A_207 = vector.extract_strided_slice %get3A_1 {offsets = [0, 68], sizes = [32, 1], strides = [1, 1]} : vector<32x65536xf32> to vector<32x1xf32>
    %squeeze3A_208 = vector.shape_cast %slice3A_207 : vector<32x1xf32> to vector<32xf32>
    %slice3A_209 = vector.extract_strided_slice %get3A_1 {offsets = [0, 66], sizes = [32, 1], strides = [1, 1]} : vector<32x65536xf32> to vector<32x1xf32>
    %squeeze3A_210 = vector.shape_cast %slice3A_209 : vector<32x1xf32> to vector<32xf32>
    %slice3A_211 = vector.extract_strided_slice %get3A_1 {offsets = [0, 65], sizes = [32, 1], strides = [1, 1]} : vector<32x65536xf32> to vector<32x1xf32>
    %squeeze3A_212 = vector.shape_cast %slice3A_211 : vector<32x1xf32> to vector<32xf32>
    %slice3A_213 = vector.extract_strided_slice %get3A_1 {offsets = [0, 48], sizes = [32, 1], strides = [1, 1]} : vector<32x65536xf32> to vector<32x1xf32>
    %squeeze3A_214 = vector.shape_cast %slice3A_213 : vector<32x1xf32> to vector<32xf32>
    %slice3A_215 = vector.extract_strided_slice %get3A_1 {offsets = [0, 40], sizes = [32, 1], strides = [1, 1]} : vector<32x65536xf32> to vector<32x1xf32>
    %squeeze3A_216 = vector.shape_cast %slice3A_215 : vector<32x1xf32> to vector<32xf32>
    %slice3A_217 = vector.extract_strided_slice %get3A_1 {offsets = [0, 36], sizes = [32, 1], strides = [1, 1]} : vector<32x65536xf32> to vector<32x1xf32>
    %squeeze3A_218 = vector.shape_cast %slice3A_217 : vector<32x1xf32> to vector<32xf32>
    %slice3A_219 = vector.extract_strided_slice %get3A_1 {offsets = [0, 34], sizes = [32, 1], strides = [1, 1]} : vector<32x65536xf32> to vector<32x1xf32>
    %squeeze3A_220 = vector.shape_cast %slice3A_219 : vector<32x1xf32> to vector<32xf32>
    %slice3A_221 = vector.extract_strided_slice %get3A_1 {offsets = [0, 33], sizes = [32, 1], strides = [1, 1]} : vector<32x65536xf32> to vector<32x1xf32>
    %squeeze3A_222 = vector.shape_cast %slice3A_221 : vector<32x1xf32> to vector<32xf32>
    %slice3A_223 = vector.extract_strided_slice %get3A_1 {offsets = [0, 24], sizes = [32, 1], strides = [1, 1]} : vector<32x65536xf32> to vector<32x1xf32>
    %squeeze3A_224 = vector.shape_cast %slice3A_223 : vector<32x1xf32> to vector<32xf32>
    %slice3A_225 = vector.extract_strided_slice %get3A_1 {offsets = [0, 20], sizes = [32, 1], strides = [1, 1]} : vector<32x65536xf32> to vector<32x1xf32>
    %squeeze3A_226 = vector.shape_cast %slice3A_225 : vector<32x1xf32> to vector<32xf32>
    %slice3A_227 = vector.extract_strided_slice %get3A_1 {offsets = [0, 18], sizes = [32, 1], strides = [1, 1]} : vector<32x65536xf32> to vector<32x1xf32>
    %squeeze3A_228 = vector.shape_cast %slice3A_227 : vector<32x1xf32> to vector<32xf32>
    %slice3A_229 = vector.extract_strided_slice %get3A_1 {offsets = [0, 17], sizes = [32, 1], strides = [1, 1]} : vector<32x65536xf32> to vector<32x1xf32>
    %squeeze3A_230 = vector.shape_cast %slice3A_229 : vector<32x1xf32> to vector<32xf32>
    %slice3A_231 = vector.extract_strided_slice %get3A_1 {offsets = [0, 12], sizes = [32, 1], strides = [1, 1]} : vector<32x65536xf32> to vector<32x1xf32>
    %squeeze3A_232 = vector.shape_cast %slice3A_231 : vector<32x1xf32> to vector<32xf32>
    %slice3A_233 = vector.extract_strided_slice %get3A_1 {offsets = [0, 10], sizes = [32, 1], strides = [1, 1]} : vector<32x65536xf32> to vector<32x1xf32>
    %squeeze3A_234 = vector.shape_cast %slice3A_233 : vector<32x1xf32> to vector<32xf32>
    %slice3A_235 = vector.extract_strided_slice %get3A_1 {offsets = [0, 9], sizes = [32, 1], strides = [1, 1]} : vector<32x65536xf32> to vector<32x1xf32>
    %squeeze3A_236 = vector.shape_cast %slice3A_235 : vector<32x1xf32> to vector<32xf32>
    %slice3A_237 = vector.extract_strided_slice %get3A_1 {offsets = [0, 6], sizes = [32, 1], strides = [1, 1]} : vector<32x65536xf32> to vector<32x1xf32>
    %squeeze3A_238 = vector.shape_cast %slice3A_237 : vector<32x1xf32> to vector<32xf32>
    %slice3A_239 = vector.extract_strided_slice %get3A_1 {offsets = [0, 5], sizes = [32, 1], strides = [1, 1]} : vector<32x65536xf32> to vector<32x1xf32>
    %squeeze3A_240 = vector.shape_cast %slice3A_239 : vector<32x1xf32> to vector<32xf32>
    %slice3A_241 = vector.extract_strided_slice %get3A_1 {offsets = [0, 3], sizes = [32, 1], strides = [1, 1]} : vector<32x65536xf32> to vector<32x1xf32>
    %squeeze3A_242 = vector.shape_cast %slice3A_241 : vector<32x1xf32> to vector<32xf32>
    %stack3A = vector.shape_cast %squeeze3A : vector<32xf32> to vector<32x1xf32>
    %stack3A_243 = vector.shape_cast %squeeze3A_6 : vector<32xf32> to vector<32x1xf32>
    %stack3A_244 = vector.shape_cast %squeeze3A_8 : vector<32xf32> to vector<32x1xf32>
    %stack3A_245 = vector.shape_cast %squeeze3A_10 : vector<32xf32> to vector<32x1xf32>
    %stack3A_246 = vector.shape_cast %squeeze3A_12 : vector<32xf32> to vector<32x1xf32>
    %stack3A_247 = vector.shape_cast %squeeze3A_14 : vector<32xf32> to vector<32x1xf32>
    %stack3A_248 = vector.shape_cast %squeeze3A_16 : vector<32xf32> to vector<32x1xf32>
    %stack3A_249 = vector.shape_cast %squeeze3A_18 : vector<32xf32> to vector<32x1xf32>
    %stack3A_250 = vector.shape_cast %squeeze3A_20 : vector<32xf32> to vector<32x1xf32>
    %stack3A_251 = vector.shape_cast %squeeze3A_22 : vector<32xf32> to vector<32x1xf32>
    %stack3A_252 = vector.shape_cast %squeeze3A_24 : vector<32xf32> to vector<32x1xf32>
    %stack3A_253 = vector.shape_cast %squeeze3A_26 : vector<32xf32> to vector<32x1xf32>
    %stack3A_254 = vector.shape_cast %squeeze3A_28 : vector<32xf32> to vector<32x1xf32>
    %stack3A_255 = vector.shape_cast %squeeze3A_30 : vector<32xf32> to vector<32x1xf32>
    %stack3A_256 = vector.shape_cast %squeeze3A_32 : vector<32xf32> to vector<32x1xf32>
    %stack3A_257 = vector.shape_cast %squeeze3A_34 : vector<32xf32> to vector<32x1xf32>
    %stack3A_258 = vector.shape_cast %squeeze3A_36 : vector<32xf32> to vector<32x1xf32>
    %stack3A_259 = vector.shape_cast %squeeze3A_38 : vector<32xf32> to vector<32x1xf32>
    %stack3A_260 = vector.shape_cast %squeeze3A_40 : vector<32xf32> to vector<32x1xf32>
    %stack3A_261 = vector.shape_cast %squeeze3A_42 : vector<32xf32> to vector<32x1xf32>
    %stack3A_262 = vector.shape_cast %squeeze3A_44 : vector<32xf32> to vector<32x1xf32>
    %stack3A_263 = vector.shape_cast %squeeze3A_46 : vector<32xf32> to vector<32x1xf32>
    %stack3A_264 = vector.shape_cast %squeeze3A_48 : vector<32xf32> to vector<32x1xf32>
    %stack3A_265 = vector.shape_cast %squeeze3A_50 : vector<32xf32> to vector<32x1xf32>
    %stack3A_266 = vector.shape_cast %squeeze3A_52 : vector<32xf32> to vector<32x1xf32>
    %stack3A_267 = vector.shape_cast %squeeze3A_54 : vector<32xf32> to vector<32x1xf32>
    %stack3A_268 = vector.shape_cast %squeeze3A_56 : vector<32xf32> to vector<32x1xf32>
    %stack3A_269 = vector.shape_cast %squeeze3A_58 : vector<32xf32> to vector<32x1xf32>
    %stack3A_270 = vector.shape_cast %squeeze3A_60 : vector<32xf32> to vector<32x1xf32>
    %stack3A_271 = vector.shape_cast %squeeze3A_62 : vector<32xf32> to vector<32x1xf32>
    %stack3A_272 = vector.shape_cast %squeeze3A_64 : vector<32xf32> to vector<32x1xf32>
    %stack3A_273 = vector.shape_cast %squeeze3A_66 : vector<32xf32> to vector<32x1xf32>
    %stack3A_274 = vector.shape_cast %squeeze3A_68 : vector<32xf32> to vector<32x1xf32>
    %stack3A_275 = vector.shape_cast %squeeze3A_70 : vector<32xf32> to vector<32x1xf32>
    %stack3A_276 = vector.shape_cast %squeeze3A_72 : vector<32xf32> to vector<32x1xf32>
    %stack3A_277 = vector.shape_cast %squeeze3A_74 : vector<32xf32> to vector<32x1xf32>
    %stack3A_278 = vector.shape_cast %squeeze3A_76 : vector<32xf32> to vector<32x1xf32>
    %stack3A_279 = vector.shape_cast %squeeze3A_78 : vector<32xf32> to vector<32x1xf32>
    %stack3A_280 = vector.shape_cast %squeeze3A_80 : vector<32xf32> to vector<32x1xf32>
    %stack3A_281 = vector.shape_cast %squeeze3A_82 : vector<32xf32> to vector<32x1xf32>
    %stack3A_282 = vector.shape_cast %squeeze3A_84 : vector<32xf32> to vector<32x1xf32>
    %stack3A_283 = vector.shape_cast %squeeze3A_86 : vector<32xf32> to vector<32x1xf32>
    %stack3A_284 = vector.shape_cast %squeeze3A_88 : vector<32xf32> to vector<32x1xf32>
    %stack3A_285 = vector.shape_cast %squeeze3A_90 : vector<32xf32> to vector<32x1xf32>
    %stack3A_286 = vector.shape_cast %squeeze3A_92 : vector<32xf32> to vector<32x1xf32>
    %stack3A_287 = vector.shape_cast %squeeze3A_94 : vector<32xf32> to vector<32x1xf32>
    %stack3A_288 = vector.shape_cast %squeeze3A_96 : vector<32xf32> to vector<32x1xf32>
    %stack3A_289 = vector.shape_cast %squeeze3A_98 : vector<32xf32> to vector<32x1xf32>
    %stack3A_290 = vector.shape_cast %squeeze3A_100 : vector<32xf32> to vector<32x1xf32>
    %stack3A_291 = vector.shape_cast %squeeze3A_102 : vector<32xf32> to vector<32x1xf32>
    %stack3A_292 = vector.shape_cast %squeeze3A_104 : vector<32xf32> to vector<32x1xf32>
    %stack3A_293 = vector.shape_cast %squeeze3A_106 : vector<32xf32> to vector<32x1xf32>
    %stack3A_294 = vector.shape_cast %squeeze3A_108 : vector<32xf32> to vector<32x1xf32>
    %stack3A_295 = vector.shape_cast %squeeze3A_110 : vector<32xf32> to vector<32x1xf32>
    %stack3A_296 = vector.shape_cast %squeeze3A_112 : vector<32xf32> to vector<32x1xf32>
    %stack3A_297 = vector.shape_cast %squeeze3A_114 : vector<32xf32> to vector<32x1xf32>
    %stack3A_298 = vector.shape_cast %squeeze3A_116 : vector<32xf32> to vector<32x1xf32>
    %stack3A_299 = vector.shape_cast %squeeze3A_118 : vector<32xf32> to vector<32x1xf32>
    %stack3A_300 = vector.shape_cast %squeeze3A_120 : vector<32xf32> to vector<32x1xf32>
    %stack3A_301 = vector.shape_cast %squeeze3A_122 : vector<32xf32> to vector<32x1xf32>
    %stack3A_302 = vector.shape_cast %squeeze3A_124 : vector<32xf32> to vector<32x1xf32>
    %stack3A_303 = vector.shape_cast %squeeze3A_126 : vector<32xf32> to vector<32x1xf32>
    %stack3A_304 = vector.shape_cast %squeeze3A_128 : vector<32xf32> to vector<32x1xf32>
    %stack3A_305 = vector.shape_cast %squeeze3A_130 : vector<32xf32> to vector<32x1xf32>
    %stack3A_306 = vector.shape_cast %squeeze3A_132 : vector<32xf32> to vector<32x1xf32>
    %stack3A_307 = vector.shape_cast %squeeze3A_134 : vector<32xf32> to vector<32x1xf32>
    %stack3A_308 = vector.shape_cast %squeeze3A_136 : vector<32xf32> to vector<32x1xf32>
    %stack3A_309 = vector.shape_cast %squeeze3A_138 : vector<32xf32> to vector<32x1xf32>
    %stack3A_310 = vector.shape_cast %squeeze3A_140 : vector<32xf32> to vector<32x1xf32>
    %stack3A_311 = vector.shape_cast %squeeze3A_142 : vector<32xf32> to vector<32x1xf32>
    %stack3A_312 = vector.shape_cast %squeeze3A_144 : vector<32xf32> to vector<32x1xf32>
    %stack3A_313 = vector.shape_cast %squeeze3A_146 : vector<32xf32> to vector<32x1xf32>
    %stack3A_314 = vector.shape_cast %squeeze3A_148 : vector<32xf32> to vector<32x1xf32>
    %stack3A_315 = vector.shape_cast %squeeze3A_150 : vector<32xf32> to vector<32x1xf32>
    %stack3A_316 = vector.shape_cast %squeeze3A_152 : vector<32xf32> to vector<32x1xf32>
    %stack3A_317 = vector.shape_cast %squeeze3A_154 : vector<32xf32> to vector<32x1xf32>
    %stack3A_318 = vector.shape_cast %squeeze3A_156 : vector<32xf32> to vector<32x1xf32>
    %stack3A_319 = vector.shape_cast %squeeze3A_158 : vector<32xf32> to vector<32x1xf32>
    %stack3A_320 = vector.shape_cast %squeeze3A_160 : vector<32xf32> to vector<32x1xf32>
    %stack3A_321 = vector.shape_cast %squeeze3A_162 : vector<32xf32> to vector<32x1xf32>
    %stack3A_322 = vector.shape_cast %squeeze3A_164 : vector<32xf32> to vector<32x1xf32>
    %stack3A_323 = vector.shape_cast %squeeze3A_166 : vector<32xf32> to vector<32x1xf32>
    %stack3A_324 = vector.shape_cast %squeeze3A_168 : vector<32xf32> to vector<32x1xf32>
    %stack3A_325 = vector.shape_cast %squeeze3A_170 : vector<32xf32> to vector<32x1xf32>
    %stack3A_326 = vector.shape_cast %squeeze3A_172 : vector<32xf32> to vector<32x1xf32>
    %stack3A_327 = vector.shape_cast %squeeze3A_174 : vector<32xf32> to vector<32x1xf32>
    %stack3A_328 = vector.shape_cast %squeeze3A_176 : vector<32xf32> to vector<32x1xf32>
    %stack3A_329 = vector.shape_cast %squeeze3A_178 : vector<32xf32> to vector<32x1xf32>
    %stack3A_330 = vector.shape_cast %squeeze3A_180 : vector<32xf32> to vector<32x1xf32>
    %stack3A_331 = vector.shape_cast %squeeze3A_182 : vector<32xf32> to vector<32x1xf32>
    %stack3A_332 = vector.shape_cast %squeeze3A_184 : vector<32xf32> to vector<32x1xf32>
    %stack3A_333 = vector.shape_cast %squeeze3A_186 : vector<32xf32> to vector<32x1xf32>
    %stack3A_334 = vector.shape_cast %squeeze3A_188 : vector<32xf32> to vector<32x1xf32>
    %stack3A_335 = vector.shape_cast %squeeze3A_190 : vector<32xf32> to vector<32x1xf32>
    %stack3A_336 = vector.shape_cast %squeeze3A_192 : vector<32xf32> to vector<32x1xf32>
    %stack3A_337 = vector.shape_cast %squeeze3A_194 : vector<32xf32> to vector<32x1xf32>
    %stack3A_338 = vector.shape_cast %squeeze3A_196 : vector<32xf32> to vector<32x1xf32>
    %stack3A_339 = vector.shape_cast %squeeze3A_198 : vector<32xf32> to vector<32x1xf32>
    %stack3A_340 = vector.shape_cast %squeeze3A_200 : vector<32xf32> to vector<32x1xf32>
    %stack3A_341 = vector.shape_cast %squeeze3A_202 : vector<32xf32> to vector<32x1xf32>
    %stack3A_342 = vector.shape_cast %squeeze3A_204 : vector<32xf32> to vector<32x1xf32>
    %stack3A_343 = vector.shape_cast %squeeze3A_206 : vector<32xf32> to vector<32x1xf32>
    %stack3A_344 = vector.shape_cast %squeeze3A_208 : vector<32xf32> to vector<32x1xf32>
    %stack3A_345 = vector.shape_cast %squeeze3A_210 : vector<32xf32> to vector<32x1xf32>
    %stack3A_346 = vector.shape_cast %squeeze3A_212 : vector<32xf32> to vector<32x1xf32>
    %stack3A_347 = vector.shape_cast %squeeze3A_214 : vector<32xf32> to vector<32x1xf32>
    %stack3A_348 = vector.shape_cast %squeeze3A_216 : vector<32xf32> to vector<32x1xf32>
    %stack3A_349 = vector.shape_cast %squeeze3A_218 : vector<32xf32> to vector<32x1xf32>
    %stack3A_350 = vector.shape_cast %squeeze3A_220 : vector<32xf32> to vector<32x1xf32>
    %stack3A_351 = vector.shape_cast %squeeze3A_222 : vector<32xf32> to vector<32x1xf32>
    %stack3A_352 = vector.shape_cast %squeeze3A_224 : vector<32xf32> to vector<32x1xf32>
    %stack3A_353 = vector.shape_cast %squeeze3A_226 : vector<32xf32> to vector<32x1xf32>
    %stack3A_354 = vector.shape_cast %squeeze3A_228 : vector<32xf32> to vector<32x1xf32>
    %stack3A_355 = vector.shape_cast %squeeze3A_230 : vector<32xf32> to vector<32x1xf32>
    %stack3A_356 = vector.shape_cast %squeeze3A_232 : vector<32xf32> to vector<32x1xf32>
    %stack3A_357 = vector.shape_cast %squeeze3A_234 : vector<32xf32> to vector<32x1xf32>
    %stack3A_358 = vector.shape_cast %squeeze3A_236 : vector<32xf32> to vector<32x1xf32>
    %stack3A_359 = vector.shape_cast %squeeze3A_238 : vector<32xf32> to vector<32x1xf32>
    %stack3A_360 = vector.shape_cast %squeeze3A_240 : vector<32xf32> to vector<32x1xf32>
    %stack3A_361 = vector.shape_cast %squeeze3A_242 : vector<32xf32> to vector<32x1xf32>
    %stack3A_362 = tpu.concatenate %stack3A, %stack3A_243, %stack3A_244, %stack3A_245, %stack3A_246, %stack3A_247, %stack3A_248, %stack3A_249, %stack3A_250, %stack3A_251, %stack3A_252, %stack3A_253, %stack3A_254, %stack3A_255, %stack3A_256, %stack3A_257, %stack3A_258, %stack3A_259, %stack3A_260, %stack3A_261, %stack3A_262, %stack3A_263, %stack3A_264, %stack3A_265, %stack3A_266, %stack3A_267, %stack3A_268, %stack3A_269, %stack3A_270, %stack3A_271, %stack3A_272, %stack3A_273, %stack3A_274, %stack3A_275, %stack3A_276, %stack3A_277, %stack3A_278, %stack3A_279, %stack3A_280, %stack3A_281, %stack3A_282, %stack3A_283, %stack3A_284, %stack3A_285, %stack3A_286, %stack3A_287, %stack3A_288, %stack3A_289, %stack3A_290, %stack3A_291, %stack3A_292, %stack3A_293, %stack3A_294, %stack3A_295, %stack3A_296, %stack3A_297, %stack3A_298, %stack3A_299, %stack3A_300, %stack3A_301, %stack3A_302, %stack3A_303, %stack3A_304, %stack3A_305, %stack3A_306, %stack3A_307, %stack3A_308, %stack3A_309, %stack3A_310, %stack3A_311, %stack3A_312, %stack3A_313, %stack3A_314, %stack3A_315, %stack3A_316, %stack3A_317, %stack3A_318, %stack3A_319, %stack3A_320, %stack3A_321, %stack3A_322, %stack3A_323, %stack3A_324, %stack3A_325, %stack3A_326, %stack3A_327, %stack3A_328, %stack3A_329, %stack3A_330, %stack3A_331, %stack3A_332, %stack3A_333, %stack3A_334, %stack3A_335, %stack3A_336, %stack3A_337, %stack3A_338, %stack3A_339, %stack3A_340, %stack3A_341, %stack3A_342, %stack3A_343, %stack3A_344, %stack3A_345, %stack3A_346, %stack3A_347, %stack3A_348, %stack3A_349, %stack3A_350, %stack3A_351, %stack3A_352, %stack3A_353, %stack3A_354, %stack3A_355, %stack3A_356, %stack3A_357, %stack3A_358, %stack3A_359, %stack3A_360, %stack3A_361 in 1 : vector<32x1xf32>, vector<32x1xf32>, vector<32x1xf32>, vector<32x1xf32>, vector<32x1xf32>, vector<32x1xf32>, vector<32x1xf32>, vector<32x1xf32>, vector<32x1xf32>, vector<32x1xf32>, vector<32x1xf32>, vector<32x1xf32>, vector<32x1xf32>, vector<32x1xf32>, vector<32x1xf32>, vector<32x1xf32>, vector<32x1xf32>, vector<32x1xf32>, vector<32x1xf32>, vector<32x1xf32>, vector<32x1xf32>, vector<32x1xf32>, vector<32x1xf32>, vector<32x1xf32>, vector<32x1xf32>, vector<32x1xf32>, vector<32x1xf32>, vector<32x1xf32>, vector<32x1xf32>, vector<32x1xf32>, vector<32x1xf32>, vector<32x1xf32>, vector<32x1xf32>, vector<32x1xf32>, vector<32x1xf32>, vector<32x1xf32>, vector<32x1xf32>, vector<32x1xf32>, vector<32x1xf32>, vector<32x1xf32>, vector<32x1xf32>, vector<32x1xf32>, vector<32x1xf32>, vector<32x1xf32>, vector<32x1xf32>, vector<32x1xf32>, vector<32x1xf32>, vector<32x1xf32>, vector<32x1xf32>, vector<32x1xf32>, vector<32x1xf32>, vector<32x1xf32>, vector<32x1xf32>, vector<32x1xf32>, vector<32x1xf32>, vector<32x1xf32>, vector<32x1xf32>, vector<32x1xf32>, vector<32x1xf32>, vector<32x1xf32>, vector<32x1xf32>, vector<32x1xf32>, vector<32x1xf32>, vector<32x1xf32>, vector<32x1xf32>, vector<32x1xf32>, vector<32x1xf32>, vector<32x1xf32>, vector<32x1xf32>, vector<32x1xf32>, vector<32x1xf32>, vector<32x1xf32>, vector<32x1xf32>, vector<32x1xf32>, vector<32x1xf32>, vector<32x1xf32>, vector<32x1xf32>, vector<32x1xf32>, vector<32x1xf32>, vector<32x1xf32>, vector<32x1xf32>, vector<32x1xf32>, vector<32x1xf32>, vector<32x1xf32>, vector<32x1xf32>, vector<32x1xf32>, vector<32x1xf32>, vector<32x1xf32>, vector<32x1xf32>, vector<32x1xf32>, vector<32x1xf32>, vector<32x1xf32>, vector<32x1xf32>, vector<32x1xf32>, vector<32x1xf32>, vector<32x1xf32>, vector<32x1xf32>, vector<32x1xf32>, vector<32x1xf32>, vector<32x1xf32>, vector<32x1xf32>, vector<32x1xf32>, vector<32x1xf32>, vector<32x1xf32>, vector<32x1xf32>, vector<32x1xf32>, vector<32x1xf32>, vector<32x1xf32>, vector<32x1xf32>, vector<32x1xf32>, vector<32x1xf32>, vector<32x1xf32>, vector<32x1xf32>, vector<32x1xf32>, vector<32x1xf32>, vector<32x1xf32>, vector<32x1xf32>, vector<32x1xf32>, vector<32x1xf32>, vector<32x1xf32> -> vector<32x120xf32>
    %broadcast_in_dim3A = vector.shape_cast %div3A_4 : vector<32xf32> to vector<32x1xf32>
    %mul3A = vector.broadcast %broadcast_in_dim3A : vector<32x1xf32> to vector<32x120xf32>
    %mul3A_363 = arith.mulf %stack3A_362, %mul3A : vector<32x120xf32>
    %swap3A = arith.constant 0 : index
    %swap3A_364 = arith.constant 0 : index
    %swap3A_365 = vector.load %arg2[%swap3A, %swap3A_364] : memref<32x120xf32, #tpu.memory_space<vmem>>, vector<32x120xf32>
    tpu.vector_store %arg2[%swap3A, %swap3A_364], %mul3A_363 {strides = array<i32>} : memref<32x120xf32, #tpu.memory_space<vmem>>, vector<32x120xf32>,
    return
  }
  func.func @transform_0(%arg0: i32) -> (i32, i32) {
    %c0_i32 = arith.constant 0 : i32
    %c0_i32_0 = arith.constant 0 : i32
    return %arg0, %c0_i32 : i32, i32
  }
  func.func @transform_1(%arg0: i32) -> (i32, i32) {
    %c0_i32 = arith.constant 0 : i32
    %c0_i32_0 = arith.constant 0 : i32
    return %arg0, %c0_i32 : i32, i32
  }
}

</mosaic_0001>

<sc_bundles>
// kernel: sc_rows.3.cloned.1.call-start
scs
__scs_entry_jumppad:
0x0: {  	(pc) =	sbr.rel $0x88, $3  }
0x1: {  	(tag) =	ssettag $0x0;
	lr =	simm.s32 $0x1  }
0x2: {  	[smem:$0x3FA0] =	sst lr;
	_ =	strace $0xD0000000  }
0x3: {  	_ = 	snop  }
0x4: {  	_ = 	snop  }
0x5: {  	_ = 	snop  }
0x6: {  	_ = 	snop  }
0x7: {  	_ = 	snop  }
__scs_overlays_trampoline_lowered:
0x8: {  	[smem:$0x3FAF] =	sst s0  }
0x9: {  	[smem:$0x3FB0] =	sst s1  }
0xa: {  	[smem:$0x3FB1] =	sst s2  }
0xb: {  	[smem:$0x3FB2] =	sst s3  }
0xc: {  	[smem:$0x3FB3] =	sst s4  }
0xd: {  	[smem:$0x3FB4] =	sst s5  }
0xe: {  	[smem:$0x3FB5] =	sst s6  }
0xf: {  	[smem:$0x3FB6] =	sst s7  }
0x10: {  	[smem:$0x3FB7] =	sst s8  }
0x11: {  	[smem:$0x3FB8] =	sst s9;
	s0 =	simm.s32 @!p0 $0x0  }
0x12: {  	s1 =	sld [smem:$0x3F9E];
	s0 =	simm.s32 @p0 $0x1  }
0x13: {  	[smem:$0x3FB9] =	sst s0;
	s0 =	simm.s32 @!p1 $0x0  }
0x14: {  	s2 =	sld [smem:$0x3F9D];
	s0 =	simm.s32 @p1 $0x1  }
0x15: {  	[smem:$0x3FBA] =	sst s0;
	s0 =	simm.s32 @!p2 $0x0  }
0x16: {  	s3 =	sld [smem:$0x3FDB];
	s0 =	simm.s32 @p2 $0x1  }
0x17: {  	s4 =	simm.s32 $0x1BF5;
	[smem:$0x3FBC] =	sst s0  }
0x18: {  	s0 =	sld [smem:$0x3F9F];
	_ =	swait.ge [sflag:s4], $0x0  }
0x19: {  	s7 =	sld [smem:$0x3FA0]  }
0x1a: {  	s8 =	sadd.s32 $0xFFFFE003, lr  }
0x1b: {  	s9 =	sadd.s32 $0xFFFFFEF7, lr;
	s5 =	simm.s32 $0xFFFFFFFF;
	p2 =	slt.u32 s8, $0xFFFFF086  }
0x1c: {  	p1 =	slt.u32 s9, $0xF7A;
	s5 =	simm.s32 @!p2 $0x0  }
0x1d: {  	s5 =	simm.s32 @p1 $0x1;
	p0 =	seq.s32 s7, s2  }
0x1e: {  	s7 =	smul.u32 @!p0 $0xF7A, s2;
	p2 =	seq.s32 @!p0 s5, $0x0  }
0x1f: {  	s9 =	smul.u32 $0xF7A, s1;
	s8 =	simm.s32 @!p0 $0x1BF5;
	p2 =	por !p2, p0  }
0x20: {  	[sflag:s8] =	ssyncset.s32 @!p0 $0xFFFFF086;
	s6 =	sadd.s32 @!p0 s3, s7;
	s7 =	simm.s32 @!p0 $0x108  }
0x21: {  	s3 =	sadd.s32 s3, s9;
	s6 =	sadd.s32 @!p0 $0x88, s6;
	s7 =	simm.s32 @p2 $0x1082  }
0x22: {  	[simem:s7], [sflag:s8] =	dma.local @!p0 [hbm:s6], $0xF7A  }
0x23: {  	s9 =	sor.u32 $0xD0000000, s2;
	s6 =	simm.s32 $0x108;
	_ =	swait.ge @!p0 [sflag:s8], $0x0  }
0x24: {  	s3 =	sadd.s32 $0x88, s3;
	s6 =	simm.s32 @!p1 $0x1082;
	[sflag:s4] =	ssyncset.s32 $0xFFFFF086  }
0x25: {  	[simem:s6], [sflag:s4] =	dma.local [hbm:s3], $0xF7A  }
0x26: {  	[smem:$0x3FA0] =	sst s1;
	(tag) =	ssettag s2;
	_ =	strace s9  }
0x27: {  	s1 =	sld [smem:$0x3FB0]  }
0x28: {  	s2 =	sld [smem:$0x3FB1]  }
0x29: {  	s4 =	sld [smem:$0x3FB3]  }
0x2a: {  	p0 =	seq.s32 s5, $0x0;
	s5 =	sld [smem:$0x3FB4]  }
0x2b: {  	s6 =	sld [smem:$0x3FB5]  }
0x2c: {  	s7 =	sld [smem:$0x3FB6]  }
0x2d: {  	s3 =	simm.s32 $0x108;
	s8 =	sld [smem:$0x3FB7]  }
0x2e: {  	s3 =	simm.s32 @!p0 $0x1082;
	s9 =	sld [smem:$0x3FB8]  }
0x2f: {  	lr =	sadd.s32 s0, s3;
	s0 =	sld [smem:$0x3FAF]  }
0x30: {  	s3 =	sld [smem:$0x3FB2]  }
0x31: {  	[smem:$0x3FBB] =	sst s10  }
0x32: {  	s10 =	sld [smem:$0x3FB9];
	_ =	sdelay $0x3  }
0x33: {  	p0 =	seq.s32 s10, $0x1;
	s10 =	sld [smem:$0x3FBB];
	_ =	sdelay $0x3  }
0x34: {  	[smem:$0x3FBB] =	sst s10  }
0x35: {  	s10 =	sld [smem:$0x3FBA];
	_ =	sdelay $0x3  }
0x36: {  	p1 =	seq.s32 s10, $0x1;
	s10 =	sld [smem:$0x3FBB];
	_ =	sdelay $0x3  }
0x37: {  	[smem:$0x3FBB] =	sst s10  }
0x38: {  	s10 =	sld [smem:$0x3FBC]  }
0x39: {  	_ = 	snop;
	(pc) =	sbr.ind lr, $3  }
0x3a: {  	_ = 	snop  }
0x3b: {  	_ = 	snop  }
0x3c: {  	p2 =	seq.s32 s10, $0x1;
	s10 =	sld [smem:$0x3FBB]  }
0x3d: {  	_ =	shalt  }
0x3e: {  	_ =	shalt  }
0x3f: {  	_ =	shalt  }
0x40: {  	_ =	shalt  }
0x41: {  	_ =	shalt  }
0x42: {  	_ =	shalt  }
0x43: {  	_ =	shalt  }
0x44: {  	_ =	shalt  }
0x45: {  	_ =	shalt  }
0x46: {  	_ =	shalt  }
0x47: {  	_ =	shalt  }
0x48: {  	_ =	shalt  }
0x49: {  	_ =	shalt  }
0x4a: {  	_ =	shalt  }
0x4b: {  	_ =	shalt  }
0x4c: {  	_ =	shalt  }
0x4d: {  	_ =	shalt  }
0x4e: {  	_ =	shalt  }
0x4f: {  	_ =	shalt  }
0x50: {  	_ =	shalt  }
0x51: {  	_ =	shalt  }
0x52: {  	_ =	shalt  }
0x53: {  	_ =	shalt  }
0x54: {  	_ =	shalt  }
0x55: {  	_ =	shalt  }
0x56: {  	_ =	shalt  }
0x57: {  	_ =	shalt  }
0x58: {  	_ =	shalt  }
0x59: {  	_ =	shalt  }
0x5a: {  	_ =	shalt  }
0x5b: {  	_ =	shalt  }
0x5c: {  	_ =	shalt  }
0x5d: {  	_ =	shalt  }
0x5e: {  	_ =	shalt  }
0x5f: {  	_ =	shalt  }
0x60: {  	_ =	shalt  }
0x61: {  	_ =	shalt  }
0x62: {  	_ =	shalt  }
0x63: {  	_ =	shalt  }
0x64: {  	_ =	shalt  }
0x65: {  	_ =	shalt  }
0x66: {  	_ =	shalt  }
0x67: {  	_ =	shalt  }
0x68: {  	_ =	shalt  }
0x69: {  	_ =	shalt  }
0x6a: {  	_ =	shalt  }
0x6b: {  	_ =	shalt  }
0x6c: {  	_ =	shalt  }
0x6d: {  	_ =	shalt  }
0x6e: {  	_ =	shalt  }
0x6f: {  	_ =	shalt  }
0x70: {  	_ =	shalt  }
0x71: {  	_ =	shalt  }
0x72: {  	_ =	shalt  }
0x73: {  	_ =	shalt  }
0x74: {  	_ =	shalt  }
0x75: {  	_ =	shalt  }
0x76: {  	_ =	shalt  }
0x77: {  	_ =	shalt  }
0x78: {  	_ =	shalt  }
0x79: {  	_ =	shalt  }
0x7a: {  	_ =	shalt  }
0x7b: {  	_ =	shalt  }
0x7c: {  	_ =	shalt  }
0x7d: {  	_ =	shalt  }
0x7e: {  	_ =	shalt  }
0x7f: {  	_ =	shalt  }
0x80: {  	_ =	shalt  }
0x81: {  	_ =	shalt  }
0x82: {  	_ =	shalt  }
0x83: {  	_ =	shalt  }
0x84: {  	_ =	shalt  }
0x85: {  	_ =	shalt  }
0x86: {  	_ =	shalt  }
0x87: {  	_ =	shalt  }
.Lfunc_end0:
.L_simem_size_0:
called_computation_lowered:
.L_overlay_start_0:
0x88: {  	s2 =	sld [smem:$0x3FD9]  }
0x89: {  	s3 =	sld [smem:$0x3FFE];
	_ =	sdelay $0x1  }
0x8a: {  	s1 =	srdreg.scid  }
0x8b: {  	s0 =	sand.u32 $0x1, s1  }
0x8c: {  	s17 =	sshll.u32 s0, $0xA;
	s2 =	sadd.s32 s3, s2  }
0x8d: {  	s2 =	sadd.s32 s2, s17  }
0x8e: {  	[smem:$0x3FC7] =	sst s2  }
0x8f: {  	_ = 	snop  }
0x90: {  	s2 =	sld [smem:$0x3FC9]  }
0x91: {  	s18 =	sld [smem:$0x3FD0];
	(tm) =	ssettm $0x1  }
0x92: {  	s4 =	sld [smem:$0x3FFB];
	_ =	sdelay $0x3  }
0x93: {  	_ =	strace s4  }
0x94: {  	s4 =	sld [smem:$0x3FFC];
	_ =	sdelay $0x3  }
0x95: {  	_ =	strace s4  }
0x96: {  	s4 =	sld [smem:$0x3FFD];
	_ =	sdelay $0x3  }
0x97: {  	_ =	strace s4  }
0x98: {  	_ =	strace $0x8FFFFFFF  }
0x99: {  	s19 =	sld [smem:$0x3FDB];
	_ =	sdelay $0x1  }
0x9a: {  	s5 =	simm.s32 $_scs_section_size  }
0x9b: {  	s6 =	simm.s32 $_size__tile_overlayer_lowered;
	s7 =	simm.s32 $_tile_overlayer_lowered  }
0x9c: {  	s22 =	simm.s32 $0x1BFF;
	s21 =	sshll.u32 s7, $0x1;
	s4 =	sadd.s32 s5, s19  }
0x9d: {  	s8 =	simm.s32 $0x0;
	s20 =	sshll.u32 s6, $0x1;
	s6 =	sadd.s32 s21, s4  }
0x9e: {  	[timem:s8], [sflag:s22] =	dma.local [hbm:s6], s20  }
0x9f: {  	_ =	swait.ge [sflag:s22], s20  }
0xa0: {  	s5 =	ssub.s32 $0x0, s20;
	[sflag:s22] =	ssyncset.done $0x0  }
0xa1: {  	[sflag:s22] =	ssyncadd.s32 s5;
	_ =	sdelay $0x1  }
0xa2: {  	s23 =	simm.s32 $0x1B8B  }
0xa3: {  	_ =	swait.ge [sflag:s23], $0x1  }
0xa4: {  	[sflag:s23] =	ssyncset.done $0x0  }
0xa5: {  	s25 =	simm.s32 $0x1B8E;
	s24 =	sld [smem:$0x3FFE];
	[sflag:s23] =	ssyncadd.s32 $0xFFFFFFFF  }
0xa6: {  	s26 =	simm.s32 $execute0_lowered;
	[smem:$0x3FD2] =	sst s25  }
0xa7: {  	s6 =	sshll.u32 s26, $0x1;
	_ =	strace $0x80000046;
	[dreg:$0x1] =	wrdreg $0xFFFFFFFF  }
0xa8: {  	s28 =	simm.s32 $_size_execute0_lowered;
	s4 =	sadd.s32 s4, s6;
	[dreg:$0x0] =	wrdreg $0x0  }
0xa9: {  	s6 =	sshll.u32 s28, $0x1;
	[dreg:$0x2] =	wrdreg s4  }
0xaa: {  	[dreg:$0x3] =	wrdreg s6  }
0xab: {  	[dreg:$0x4] =	wrdreg $0xC0  }
0xac: {  	_ =	task [dreg:s8], $0x5FFFF  }
0xad: {  	[dreg:$0x1] =	wrdreg $0xFFFFFFFF  }
0xae: {  	[dreg:$0x0] =	wrdreg $0x60  }
0xaf: {  	[dreg:$0x2] =	wrdreg s2  }
0xb0: {  	[dreg:$0x3] =	wrdreg s24  }
0xb1: {  	[dreg:$0x4] =	wrdreg s18  }
0xb2: {  	[dreg:$0x5] =	wrdreg $0x9  }
0xb3: {  	_ =	task.clear_ibuf [dreg:s8], $0x6FFFF;
	_ =	strace $0x90000046  }
0xb4: {  	s29 =	simm.s32 $0x9;
	_ =	strace $0x80000048  }
0xb5: {  	_ =	swait.ge [sflag:s29], $0x1  }
0xb6: {  	[sflag:s29] =	ssyncadd.s32 $0xFFFFFFFF  }
0xb7: {  	_ =	strace $0x90000048  }
0xb8: {  	_ =	sfence  }
0xb9: {  	s30 =	sld [smem:$0x0];
	_ =	sdelay $0x2  }
0xba: {  	s31 =	sshll.u32 s1, $0xD;
	s1 =	sshrl.u32 s1, $0x2  }
0xbb: {  	s3 =	sand.u32 $0x4000, s31;
	s1 =	sadd.s32 s1, s30  }
0xbc: {  	s0 =	sor.u32 s3, s0;
	s1 =	sshll.u32 s1, $0x11  }
0xbd: {  	s0 =	sor.u32 s1, s0  }
0xbe: {  	s0 =	sadd.s32 $0x8F2B, s0  }
0xbf: {  	[sflag:s0] =	ssyncadd.remote.s32 $0x1  }
0xc0: {  	_ =	sfence.sel $0xFFFF  }
0xc1: {  	[dreg:$0x0] =	wrdreg $0xFFFFFFFF;
	(pc) =	sbr.abs _section_cstart, $3  }
0xc2: {  	[dreg:$0x1] =	wrdreg $0xFFFFFFFF  }
0xc3: {  	_ =	task.clear_ibuf [dreg:s8], $0x2FFFF;
	_ =	strace $0x9FFFFFFF  }
0xc4: {  	(tm) =	ssettm $0x7FFFFFFF  }
0xc5: {  	_ =	shalt  }
tec
execute0_lowered:
.L_overlay_start_1:
0x0: {  	(tag) =	ssettag $0x1  }
0x1: {  	s2 =	rddreg [dreg:$0x0]  }
0x2: {  	s1 =	srdreg.scid;
	s8 =	rddreg [dreg:$0x1]  }
0x3: {  	s0 =	stileid.u32;
	s4 =	rddreg [dreg:$0x2]  }
0x4: {  	s6 =	simm.s32 $0x0;
	s7 =	sand.u32 $0x1, s1;
	s28 =	sshll.u32 s0, $0x1  }
0x5: {  	s12 =	simm.s32 $0x3;
	s13 =	simm.s32 $0x80;
	s1 =	sor.u32 s7, s28  }
0x6: {  	s14 =	simm.s32 $0x400;
	s15 =	simm.s32 $0x1;
	s3 =	smul.u32 $0x6, s1  }
0x7: {  	s16 =	simm.s32 $0x8000;
	s17 =	simm.s32 $0x2;
	s18 =	simm.s32 $0x10180  }
0x8: {  	s19 =	simm.s32 $0x0;
	s9 =	smul.u32 $0x300, s1;
	s5 =	sadd.s32 $0x140, s3  }
0x9: {  	[smem:$0x7FF] =	sst s6;
	s11 =	ssub.s32 $0x2, s7;
	s10 =	sshll.u32 s5, $0x10  }
0xa: {  	s7 =	sadd.s32 $0x400, s8;
	s1 =	rddreg [dreg:$0x3];
	s29 =	sor.u32 s9, s10  }
0xb: {  	_ =	strace $0x80000047;
	s30 =	sshrl.u32 s11, $0x1;
	s10 =	sand.u32 $0x7FF80300, s29  }
0xc: {  	s11 =	ssub.s32 s11, s30;
	s9 =	sadd.s32 $0x8000, s2;
	s31 =	sshrl.u32 s10, $0x3  }
0xd: {  	s10 =	smax.u32 s11, $0x1;
	s11 =	simm.s32 $0x10000;
	s8 =	sadd.s32 s2, s31  }
.LBB2_1:
0xe: {  	[tilespmem:s11], [sflag:$0x3] =	stream.linear.gather [hbm4b:s7+s6], $0x100, $0x38;
	[tilespmem:$0x10200] =	vst v63  }
0xf: {  	_ =	swait.ge [sflag:s12], $0x100  }
0x10: {  	[sflag:s12] =	ssyncset.done $0x0  }
0x11: {  	s20 =	simm.s32 $0x0;
	[sflag:s12] =	ssyncadd.s32 $0xFFFFFF00  }
0x12: {  	[tilespmem:s6], [sflag:$0x1] =	stream.strided.gather [hbm4b:s8+s13], $0x8000, s14, s13, $0x38;
	[tilespmem:$0x10200] =	vst v63  }
.LBB2_2:
0x13: {  	s21 =	sadd.s32 s5, s20  }
0x14: {  	s22 =	sshll.u32 s21, $0xD;
	s23 =	sshll.u32 s21, $0x4  }
0x15: {  	_ =	swait.ge [sflag:s15], $0x8000;
	s22 =	sand.u32 $0xFFF0000, s22;
	s23 =	sand.u32 $0x70, s23  }
0x16: {  	[sflag:s15] =	ssyncset.done $0x0;
	s22 =	sor.u32 s23, s22  }
0x17: {  	[sflag:s15] =	ssyncadd.s32 $0xFFFF8000;
	s22 =	sadd.s32 s22, s9  }
0x18: {  	[tilespmem:s16], [sflag:$0x2] =	stream.strided.gather [hbm4b:s22+s13], $0x8000, s14, s13, $0x38;
	[tilespmem:$0x10200] =	vst v63  }
0x19: {  	s22 =	simm.s32 $0x0  }
0x1a: {  	v2 =	vld [tilespmem:s22+$0x80]  }
0x1b: {  	v4 =	vld [tilespmem:s22+$0x90]  }
0x1c: {  	v3 =	vld [tilespmem:s22+$0xA0]  }
0x1d: {  	v5 =	vld [tilespmem:s22+$0xB0]  }
0x1e: {  	v0 =	vld [tilespmem:s22+$0xC0]  }
0x1f: {  	v1 =	vld [tilespmem:s22+$0xD0]  }
0x20: {  	v18 =	vld [tilespmem:s22+$0x0]  }
0x21: {  	v20 =	vld [tilespmem:s22+$0x10]  }
0x22: {  	v17 =	vld [tilespmem:s22+$0x20]  }
0x23: {  	v19 =	vld [tilespmem:s22+$0x30]  }
0x24: {  	v10 =	vimm.f32 $0.0e+00;
	v11 =	vimm.f32 $0.0e+00;
	v14 =	vld [tilespmem:s22+$0x40]  }
0x25: {  	v12 =	vimm.f32 $0.0e+00;
	v13 =	vimm.f32 $0.0e+00;
	v6 =	vimm.f32 $0.0e+00;
	v15 =	vld [tilespmem:s22+$0x50]  }
0x26: {  	v9 =	vimm.f32 $0.0e+00;
	v7 =	vimm.f32 $0.0e+00;
	v8 =	vimm.f32 $0.0e+00;
	s23 =	simm.s32 $0x400;
	v16 =	vld [tilespmem:s22+$0x60]  }
.LBB2_3:
0x27: {  	p0 =	sne.s32 s23, $0x1FC00;
	v21 =	vld [tilespmem:s22+$0x70];
	v10 =	vadd.f32 v18, v10;
	v11 =	vadd.f32 v20, v11  }
0x28: {  	v12 =	vadd.f32 v17, v12;
	v18 =	vld [tilespmem:s22+$0xE0];
	v13 =	vadd.f32 v19, v13  }
0x29: {  	v17 =	vld [tilespmem:s22+$0xF0];
	s22 =	sshra.s32 s23, $0x2;
	v10 =	vadd.f32 v2, v10;
	v11 =	vadd.f32 v4, v11  }
0x2a: {  	v12 =	vadd.f32 v3, v12;
	v2 =	vld [tilespmem:s22+$0x80];
	v13 =	vadd.f32 v5, v13  }
0x2b: {  	v6 =	vadd.f32 v14, v6;
	v9 =	vadd.f32 v15, v9;
	v4 =	vld [tilespmem:s22+$0x90]  }
0x2c: {  	v7 =	vadd.f32 v16, v7;
	v3 =	vld [tilespmem:s22+$0xA0];
	v8 =	vadd.f32 v21, v8  }
0x2d: {  	v6 =	vadd.f32 v0, v6;
	v9 =	vadd.f32 v1, v9;
	v5 =	vld [tilespmem:s22+$0xB0]  }
0x2e: {  	v7 =	vadd.f32 v18, v7;
	v0 =	vld [tilespmem:s22+$0xC0];
	v8 =	vadd.f32 v17, v8  }
0x2f: {  	v1 =	vld [tilespmem:s22+$0xD0]  }
0x30: {  	v18 =	vld [tilespmem:s22+$0x0]  }
0x31: {  	v20 =	vld [tilespmem:s22+$0x10]  }
.Ltmp0:
0x32: {  	v17 =	vld [tilespmem:s22+$0x20];
	(pc) =	sbr.rel @p0 .LBB2_3-.Ltmp0, $4  }
0x33: {  	v19 =	vld [tilespmem:s22+$0x30]  }
0x34: {  	v14 =	vld [tilespmem:s22+$0x40]  }
0x35: {  	v15 =	vld [tilespmem:s22+$0x50]  }
0x36: {  	s23 =	sadd.s32 $0x400, s23;
	v16 =	vld [tilespmem:s22+$0x60]  }
0x37: {  	v21 =	vld [tilespmem:$0x10000];
	_ =	sdelay $0x5  }
0x38: {  	v22 =	vld [tilespmem:$0x10010];
	_ =	sdelay $0x1  }
0x39: {  	v21 =	vld.idx.msk [tilespmem:v21+s6+$0x0], $0xffff;
	_ =	sdelay $0x1  }
0x3a: {  	v23 =	vld [tilespmem:s22+$0x70]  }
0x3b: {  	v24 =	vld [tilespmem:s22+$0xE0]  }
0x3c: {  	v26 =	vld [tilespmem:$0x10020]  }
0x3d: {  	v25 =	vld [tilespmem:s22+$0xF0];
	[tilespmem:$0x10100] =	vst v21  }
0x3e: {  	v21 =	vld.idx.msk [tilespmem:v22+s6+$0x0], $0xffff;
	_ =	sdelay $0x3  }
0x3f: {  	v22 =	vld [tilespmem:$0x10030]  }
0x40: {  	[tilespmem:$0x10110] =	vst v21  }
0x41: {  	v21 =	vld.idx.msk [tilespmem:v26+s6+$0x0], $0xffff;
	_ =	sdelay $0x3  }
0x42: {  	v62 =	vld [tilespmem:$0x10040]  }
0x43: {  	[tilespmem:$0x10120] =	vst v21  }
0x44: {  	v21 =	vld.idx.msk [tilespmem:v22+s6+$0x0], $0xffff;
	_ =	sdelay $0x3  }
0x45: {  	v22 =	vld [tilespmem:$0x10050]  }
0x46: {  	[tilespmem:$0x10130] =	vst v21  }
0x47: {  	v21 =	vld.idx.msk [tilespmem:v62+s6+$0x0], $0xffff;
	_ =	sdelay $0x3  }
0x48: {  	v63 =	vld [tilespmem:$0x10060]  }
0x49: {  	[tilespmem:$0x10140] =	vst v21  }
0x4a: {  	v21 =	vld.idx.msk [tilespmem:v22+s6+$0x0], $0xffff;
	_ =	sdelay $0x4  }
0x4b: {  	p0 =	seq.s32 s20, $0x5;
	[tilespmem:$0x10150] =	vst v21  }
0x4c: {  	s21 =	sadd.s32 @!p0 $0x1, s21;
	v21 =	vld.idx.msk [tilespmem:v63+s6+$0x0], $0xffff  }
0x4d: {  	s22 =	sshll.u32 @!p0 s21, $0x10;
	s21 =	sshll.u32 @!p0 s21, $0x7  }
0x4e: {  	s22 =	sand.u32 @!p0 $0xFFF80000, s22;
	s21 =	sand.u32 @!p0 $0x380, s21  }
0x4f: {  	s21 =	sor.u32 @!p0 s21, s22  }
0x50: {  	s23 =	simm.s32 @!p0 $0x400;
	s21 =	sshrl.u32 @!p0 s21, $0x3  }
0x51: {  	s24 =	simm.s32 @!p0 $0x0;
	s22 =	simm.s32 @!p0 $0x80;
	s21 =	sadd.s32 @!p0 s2, s21;
	[tilespmem:$0x10160] =	vst v21  }
0x52: {  	[tilespmem:s24], [sflag:$0x1] =	stream.strided.gather @!p0 [hbm4b:s21+s22], $0x8000, s23, s22, $0x38;
	[tilespmem:$0x10200] =	vst v63  }
0x53: {  	_ =	swait.ge [sflag:s17], $0x8000  }
0x54: {  	v10 =	vadd.f32 v18, v10;
	v11 =	vadd.f32 v20, v11;
	[sflag:s17] =	ssyncset.done $0x0  }
0x55: {  	v12 =	vadd.f32 v17, v12;
	v13 =	vadd.f32 v19, v13;
	s22 =	simm.s32 $0x0;
	[sflag:s17] =	ssyncadd.s32 $0xFFFF8000  }
0x56: {  	v10 =	vadd.f32 v2, v10;
	v11 =	vadd.f32 v4, v11;
	v2 =	vld [tilespmem:s22+$0x8080]  }
0x57: {  	v12 =	vadd.f32 v3, v12;
	v6 =	vadd.f32 v14, v6;
	v3 =	vld [tilespmem:s22+$0x8090]  }
0x58: {  	v5 =	vadd.f32 v5, v13;
	v9 =	vadd.f32 v15, v9;
	v4 =	vld [tilespmem:s22+$0x80A0]  }
0x59: {  	v7 =	vadd.f32 v16, v7;
	v0 =	vadd.f32 v0, v6;
	v6 =	vld [tilespmem:s22+$0x80B0]  }
0x5a: {  	v8 =	vadd.f32 v23, v8;
	v9 =	vadd.f32 v1, v9;
	v1 =	vld [tilespmem:s22+$0x80C0]  }
0x5b: {  	v10 =	vadd.f32 v11, v10;
	v11 =	vadd.f32 v5, v12;
	v5 =	vld [tilespmem:s22+$0x80D0]  }
0x5c: {  	v7 =	vadd.f32 v24, v7;
	v8 =	vadd.f32 v25, v8;
	v18 =	vld [tilespmem:s22+$0x8000]  }
0x5d: {  	v19 =	vld [tilespmem:s22+$0x8010]  }
0x5e: {  	v0 =	vadd.f32 v9, v0;
	v7 =	vadd.f32 v8, v7;
	v20 =	vld [tilespmem:s22+$0x8020]  }
0x5f: {  	v14 =	vimm.f32 $0.0e+00;
	v13 =	vimm.f32 $0.0e+00;
	v21 =	vld [tilespmem:s22+$0x8030]  }
0x60: {  	v12 =	vimm.f32 $0.0e+00;
	v8 =	vadd.f32 v11, v10;
	v0 =	vadd.f32 v7, v0;
	v15 =	vld [tilespmem:s22+$0x8040]  }
0x61: {  	v9 =	vimm.f32 $0.0e+00;
	v11 =	vimm.f32 $0.0e+00;
	v10 =	vimm.f32 $0.0e+00;
	v16 =	vld [tilespmem:s22+$0x8050]  }
0x62: {  	v7 =	vimm.f32 $0.0e+00;
	v0 =	vadd.f32 v0, v8;
	v8 =	vimm.f32 $0.0e+00;
	s21 =	sadd.s32 $0x1, s20;
	s23 =	simm.s32 $0x400;
	v17 =	vld [tilespmem:s22+$0x8060]  }
.LBB2_5:
0x63: {  	p0 =	sne.s32 s23, $0x1FC00;
	v22 =	vld [tilespmem:s22+$0x8070];
	v11 =	vadd.f32 v18, v11;
	v12 =	vadd.f32 v19, v12  }
0x64: {  	v13 =	vadd.f32 v20, v13;
	v18 =	vld [tilespmem:s22+$0x80E0];
	v14 =	vadd.f32 v21, v14  }
0x65: {  	v19 =	vld [tilespmem:s22+$0x80F0];
	s22 =	sshra.s32 s23, $0x2;
	v11 =	vadd.f32 v2, v11;
	v12 =	vadd.f32 v3, v12  }
0x66: {  	v13 =	vadd.f32 v4, v13;
	v2 =	vld [tilespmem:s22+$0x8080];
	v14 =	vadd.f32 v6, v14  }
0x67: {  	v7 =	vadd.f32 v15, v7;
	v8 =	vadd.f32 v16, v8;
	v3 =	vld [tilespmem:s22+$0x8090]  }
0x68: {  	v9 =	vadd.f32 v17, v9;
	v4 =	vld [tilespmem:s22+$0x80A0];
	v10 =	vadd.f32 v22, v10  }
0x69: {  	v7 =	vadd.f32 v1, v7;
	v8 =	vadd.f32 v5, v8;
	v6 =	vld [tilespmem:s22+$0x80B0]  }
0x6a: {  	v9 =	vadd.f32 v18, v9;
	v1 =	vld [tilespmem:s22+$0x80C0];
	v10 =	vadd.f32 v19, v10  }
0x6b: {  	v5 =	vld [tilespmem:s22+$0x80D0]  }
0x6c: {  	v18 =	vld [tilespmem:s22+$0x8000]  }
0x6d: {  	v19 =	vld [tilespmem:s22+$0x8010]  }
.Ltmp1:
0x6e: {  	v20 =	vld [tilespmem:s22+$0x8020];
	(pc) =	sbr.rel @p0 .LBB2_5-.Ltmp1, $4  }
0x6f: {  	v21 =	vld [tilespmem:s22+$0x8030]  }
0x70: {  	v15 =	vld [tilespmem:s22+$0x8040]  }
0x71: {  	v16 =	vld [tilespmem:s22+$0x8050]  }
0x72: {  	s23 =	sadd.s32 $0x400, s23;
	v17 =	vld [tilespmem:s22+$0x8060]  }
0x73: {  	v22 =	vld [tilespmem:s22+$0x8070];
	v11 =	vadd.f32 v18, v11;
	v12 =	vadd.f32 v19, v12  }
0x74: {  	v53 =	vld [tilespmem:s22+$0x80E0];
	v13 =	vadd.f32 v20, v13;
	v14 =	vadd.f32 v21, v14  }
0x75: {  	v54 =	vld [tilespmem:s22+$0x80F0];
	v2 =	vadd.f32 v2, v11;
	v3 =	vadd.f32 v3, v12  }
0x76: {  	v4 =	vadd.f32 v4, v13;
	v7 =	vadd.f32 v15, v7  }
0x77: {  	v6 =	vadd.f32 v6, v14;
	v8 =	vadd.f32 v16, v8  }
0x78: {  	v9 =	vadd.f32 v17, v9;
	v10 =	vadd.f32 v22, v10  }
0x79: {  	v1 =	vadd.f32 v1, v7;
	v5 =	vadd.f32 v5, v8  }
0x7a: {  	v55 =	vadd.f32 v53, v9;
	v56 =	vadd.f32 v54, v10  }
0x7b: {  	v2 =	vadd.f32 v3, v2;
	v57 =	vadd.f32 v6, v4  }
0x7c: {  	v1 =	vadd.f32 v5, v1;
	v58 =	vadd.f32 v56, v55;
	_ =	sdelay $0x1  }
0x7d: {  	v2 =	vadd.f32 v57, v2;
	v1 =	vadd.f32 v58, v1;
	_ =	sdelay $0x1  }
0x7e: {  	v1 =	vadd.f32 v1, v2;
	_ =	sdelay $0x1  }
0x7f: {  	v0 =	vadd.f32 v1, v0;
	_ =	sdelay $0x1  }
0x80: {  	(xrf2) =	vadd.scan.msk.f32 $0xffff, v0;
	_ =	sdelay $0x9  }
0x81: {  	v0, _, _ =	vpop (xrf2)  }
0x82: {  	v0 =	vbroadcast v0, $0xF;
	_ =	sdelay $0x1  }
0x83: {  	v59 =	vld [tilespmem:$0x10070];
	(erf) = vrcp.f32 v0;
	_ =	sdelay $0x5  }
0x84: {  	v60 =	vld [tilespmem:$0x10080]  }
0x85: {  	v61 =	vld [tilespmem:$0x10100]  }
0x86: {  	v1 =	vld.idx.msk [tilespmem:v59+s16+$0x0], $0xffff  }
0x87: {  	v62 =	vpop (erf)  }
0x88: {  	v3 =	vmul.f32 $1.024000000e+03, v62;
	_ =	sdelay $0x1  }
0x89: {  	v2 =	vmul.f32 v61, v3  }
0x8a: {  	[tilespmem:$0x10170] =	vst v1  }
0x8b: {  	[tilespmem:v60+s18+$0x0] =	vst.idx.msk $0xffff, v2  }
0x8c: {  	v0 =	vld [tilespmem:$0x10090]  }
0x8d: {  	v63 =	vld [tilespmem:$0x10110];
	_ =	sdelay $0x4  }
0x8e: {  	v1 =	vmul.f32 v63, v3;
	_ =	sdelay $0x1  }
0x8f: {  	[tilespmem:v0+s18+$0x0] =	vst.idx.msk $0xffff, v1  }
0x90: {  	v0 =	vld [tilespmem:$0x100A0]  }
0x91: {  	v1 =	vld [tilespmem:$0x10120];
	_ =	sdelay $0x4  }
0x92: {  	v1 =	vmul.f32 v1, v3;
	_ =	sdelay $0x1  }
0x93: {  	[tilespmem:v0+s18+$0x0] =	vst.idx.msk $0xffff, v1  }
0x94: {  	v0 =	vld [tilespmem:$0x100B0]  }
0x95: {  	v1 =	vld [tilespmem:$0x10130];
	_ =	sdelay $0x4  }
0x96: {  	v1 =	vmul.f32 v1, v3;
	_ =	sdelay $0x1  }
0x97: {  	[tilespmem:v0+s18+$0x0] =	vst.idx.msk $0xffff, v1  }
0x98: {  	v0 =	vld [tilespmem:$0x100C0]  }
0x99: {  	v1 =	vld [tilespmem:$0x10140];
	_ =	sdelay $0x4  }
0x9a: {  	v1 =	vmul.f32 v1, v3;
	_ =	sdelay $0x1  }
0x9b: {  	[tilespmem:v0+s18+$0x0] =	vst.idx.msk $0xffff, v1  }
0x9c: {  	v0 =	vld [tilespmem:$0x100D0]  }
0x9d: {  	v1 =	vld [tilespmem:$0x10150];
	_ =	sdelay $0x4  }
0x9e: {  	v1 =	vmul.f32 v1, v3;
	_ =	sdelay $0x1  }
0x9f: {  	[tilespmem:v0+s18+$0x0] =	vst.idx.msk $0xffff, v1  }
0xa0: {  	v0 =	vld [tilespmem:$0x100E0]  }
0xa1: {  	v1 =	vld [tilespmem:$0x10160];
	_ =	sdelay $0x4  }
0xa2: {  	v1 =	vmul.f32 v1, v3;
	_ =	sdelay $0x1  }
0xa3: {  	[tilespmem:v0+s18+$0x0] =	vst.idx.msk $0xffff, v1  }
0xa4: {  	v0 =	vld [tilespmem:$0x100F0]  }
0xa5: {  	v1 =	vld [tilespmem:$0x10170];
	_ =	sdelay $0x4  }
0xa6: {  	s20 =	sadd.s32 s3, s20;
	v1 =	vmul.f32 v1, v3  }
0xa7: {  	p0 =	sne.s32 s21, $0x6;
	s20 =	sshll.u32 s20, $0x4  }
.Ltmp2:
0xa8: {  	s20 =	sadd.s32 s4, s20;
	[tilespmem:v0+s18+$0x0] =	vst.idx.msk $0xffff, v1;
	(pc) =	sbr.rel @p0 .LBB2_2-.Ltmp2, $4  }
0xa9: {  	[hbm4b:s20+s6] =	stream.linear.scatter [tilespmem:s18], [sflag:$0x3], $0x80, $0x38;
	[tilespmem:$0x10200] =	vst v63  }
0xaa: {  	_ =	swait.ge [sflag:s12], $0x80  }
0xab: {  	[sflag:s12] =	ssyncset.done $0x0  }
0xac: {  	s20 =	smov.u32 s21;
	[sflag:s12] =	ssyncadd.s32 $0xFFFFFF80  }
0xad: {  	s19 =	sadd.s32 $0x1, s19  }
0xae: {  	p0 =	sne.s32 s19, s10  }
.Ltmp3:
0xaf: {  	_ = 	snop;
	(pc) =	sbr.rel @p0 .LBB2_1-.Ltmp3, $1  }
0xb0: {  	_ =	sdelay $0x3  }
0xb1: {  	_ =	sfence.sel $0x180000  }
0xb2: {  	[bflag:$0x0] =	sbarrier.arrive $0xFFFF  }
0xb3: {  	p0 =	sne.s32 s0, $0x0;
	_ =	strace $0x90000047  }
0xb4: {  	s0 =	sadd.s32 @!p0 $0x100000, s1;
	[bflag:$0x2] =	sbarrier.arrive $0xFFFF  }
0xb5: {  	[sflag:s0] =	ssyncadd.tile.s32 @!p0 $0x1;
	_ =	shalt  }
.Lfunc_end2:
_tile_overlayer_lowered:
.L_overlay_start_2:
0xb6: {  	(tag) =	ssettag $0x2  }
0xb7: {  	s0 =	rddreg [dreg:$0x0];
	s2 =	stileid.u32  }
0xb8: {  	s1 =	rddreg [dreg:$0x1];
	p0 =	sne.s32 s2, $0x0  }
0xb9: {  	s3 =	rddreg [dreg:$0x2];
	[bflag:$0x3] =	sbarrier.arrive $0xFFFF;
	s2 =	simm.s32 @!p0 $0x1C03  }
0xba: {  	[timem:s3], [sflag:s2] =	dma.local @!p0 [hbm:s0], s1  }
0xbb: {  	s0 =	simm.s32 @!p0 $0x3  }
0xbc: {  	_ =	swait.ge @!p0 [sflag:s0], s1  }
0xbd: {  	s1 =	ssub.s32 @!p0 $0x0, s1;
	[sflag:s0] =	ssyncset.done @!p0 $0x0  }
0xbe: {  	[sflag:s0] =	ssyncadd.s32 @!p0 s1  }
0xbf: {  	[bflag:$0x3] =	sbarrier.arrive $0xFFFF  }
0xc0: {  	_ =	shalt  }

</sc_bundles>
